<compile_context>
chip_gen: v7x
topology: tpu7x:2x2x1
jax: 0.10.2.dev20260603
libtpu: 0.0.44.dev20260713+nightly
codegen_flags: <defaults>
</compile_context>

<pallas_src>
import jax
import jax.numpy as jnp
from jax import lax
from jax.experimental import pallas as pl
from jax.experimental.pallas import tpu as pltpu
from jax.experimental.pallas import tpu_sc as plsc

VOCAB = 1000000
D = 64
SEQ = 200
BATCH = 4096

_INFO = plsc.get_sparse_core_info()
NC, NS = _INFO.num_cores, _INFO.num_subcores
NW = NC * NS
SEQ_PER_W = BATCH // NW
SCALE = 1.0 / 8.0
NBUF = 4
NPAIR = SEQ_PER_W // NBUF
BP = BATCH // 2
SB = 40


def _gather_kernel(idx_hbm, table_hbm, out_hbm, idx_all, rows, gsema, gsemb, osem):
    wid = lax.axis_index("s") * NC + lax.axis_index("c")

    pltpu.sync_copy(idx_hbm.at[pl.ds(wid * SEQ_PER_W, SEQ_PER_W)], idx_all)

    def fire_gather(q, j):
        pltpu.make_async_copy(
            table_hbm.at[idx_all.at[q, pl.ds(0, 128)]],
            rows[j].at[pl.ds(0, 128)], gsema[j]).start()
        pltpu.make_async_copy(
            table_hbm.at[idx_all.at[q, pl.ds(128, 72)]],
            rows[j].at[pl.ds(128, 72)], gsemb[j]).start()

    def wait_gather(j):
        pltpu.make_async_copy(
            table_hbm.at[idx_all.at[0, pl.ds(0, 128)]],
            rows[j].at[pl.ds(0, 128)], gsema[j]).wait()
        pltpu.make_async_copy(
            table_hbm.at[idx_all.at[0, pl.ds(128, 72)]],
            rows[j].at[pl.ds(128, 72)], gsemb[j]).wait()

    def out_dst(q):
        bp = lax.rem(wid, NW // 2) * SEQ_PER_W + q
        h = lax.div(wid, NW // 2)
        return out_hbm.at[:, bp, pl.ds(h * D, D)]

    def fire_out(q, j):
        pltpu.make_async_copy(rows[j], out_dst(q), osem[j]).start()

    def wait_out(j):
        pltpu.make_async_copy(rows[j], out_dst(0), osem[j]).wait()

    fire_gather(0, 0)

    def pair(p, carry):
        for j in range(NBUF):
            q = p * NBUF + j
            nxt = (j + 1) % NBUF
            if j < NBUF - 1:
                @pl.when(p >= 1)
                def _():
                    wait_out(nxt)
                fire_gather(q + 1, nxt)
            else:
                wait_out(nxt)

                @pl.when(p < NPAIR - 1)
                def _():
                    fire_gather(q + 1, nxt)
            wait_gather(j)
            fire_out(q, j)
        return carry

    lax.fori_loop(0, NPAIR, pair, 0)
    for j in range(1, NBUF):
        wait_out(j)


def _finish_kernel(x_ref, pe_ref, sel_ref, out_ref):
    x = x_ref[...]
    pev = pe_ref[...]
    sel = sel_ref[...]
    u = lax.dot_general(sel, x, (((1,), (2,)), ((), ())),
                        preferred_element_type=jnp.float32)
    y = u.swapaxes(0, 1) * SCALE + pev[:, :, None]
    out_ref[...] = y.reshape(SB * D, 256)


@jax.jit
def kernel(input_seqs, table, pe):
    idx2d = input_seqs.astype(jnp.int32) * 2
    table_rm = jnp.pad(table, ((0, 0), (0, D))).reshape(2 * VOCAB, D)
    raw = pl.kernel(
        _gather_kernel,
        out_type=jax.ShapeDtypeStruct((SEQ, BP, 2 * D), jnp.float32),
        mesh=plsc.VectorSubcoreMesh(core_axis_name="c", subcore_axis_name="s"),
        compiler_params=pltpu.CompilerParams(use_tc_tiling_on_sc=False),
        scratch_types=[
            pltpu.VMEM((SEQ_PER_W, SEQ), jnp.int32),
            [pltpu.VMEM((SEQ, D), jnp.float32)] * NBUF,
            [pltpu.SemaphoreType.DMA] * NBUF,
            [pltpu.SemaphoreType.DMA] * NBUF,
            [pltpu.SemaphoreType.DMA] * NBUF,
        ],
    )(idx2d, table_rm)

    out2d = pl.pallas_call(
        _finish_kernel,
        out_shape=jax.ShapeDtypeStruct((SEQ * D, BATCH), jnp.float32),
        grid=(SEQ // SB, BATCH // 512, 2),
        in_specs=[
            pl.BlockSpec((SB, 256, 2 * D), lambda i, k, h: (i, k, 0)),
            pl.BlockSpec((SB, D), lambda i, k, h: (i, 0)),
            pl.BlockSpec((D, 128), lambda i, k, h: (h, 0)),
        ],
        out_specs=pl.BlockSpec((SB * D, 256), lambda i, k, h: (i, h * (BATCH // 512) + k)),
        compiler_params=pltpu.CompilerParams(
            dimension_semantics=("parallel", "parallel", "arbitrary")),
    )(raw, pe,
      jnp.concatenate([jnp.eye(D, 128, dtype=jnp.float32),
                       jnp.eye(D, 128, k=D, dtype=jnp.float32)], axis=0))

    return out2d.reshape(SEQ, D, BATCH).transpose(2, 0, 1)

# --- scband reference (transcript-rebuilt; emitter-appended) ---
"""Pipeline reference for scband-embedder-4939212390800 (READ-ONLY COPY).

The authoritative reference and input builder live on the scoring server;
editing this copy changes nothing except your own understanding.
"""

import jax, jax.numpy as jnp
import numpy as np

VOCAB = 1000000
D_MODEL = 64
MAX_LEN = 256
BATCH = 4096
SEQ = 200

def _make_pe(max_len, d_model):
    position = jnp.arange(0, max_len, dtype=jnp.float32)[:, None]
    div_term = jnp.exp(jnp.arange(0, d_model, 2, dtype=jnp.float32) * -(np.log(10000.0) / d_model))
    pe = jnp.zeros((max_len, d_model), dtype=jnp.float32)
    pe = pe.at[:, 0::2].set(jnp.sin(position * div_term))
    pe = pe.at[:, 1::2].set(jnp.cos(position * div_term))
    return pe

def setup_inputs(seed: int = 0) -> dict:
    key = jax.random.key(seed)
    k1, k2 = jax.random.split(key)
    input_seqs = jax.random.randint(k1, (BATCH, SEQ), 0, VOCAB, dtype=jnp.int64 if jax.config.jax_enable_x64 else jnp.int32)
    table = jax.random.normal(k2, (VOCAB, D_MODEL), dtype=jnp.float32)
    pe = _make_pe(MAX_LEN, D_MODEL)
    return {"input_seqs": input_seqs, "table": table, "pe": pe}

def reference(input_seqs, table, pe):
    # element_embedding = Embedding(input_seqs) / sqrt(d_model)
    element_embedding = jnp.take(table, input_seqs, axis=0) / np.sqrt(D_MODEL)
    # add positional encoding truncated to last-dim seq length
    element_embedding = element_embedding + pe[:input_seqs.shape[-1], :]
    return element_embedding

if __name__ == "__main__":
    import jax
    _d = setup_inputs()
    print(jax.jit(kernel)(*tuple(_d.values())))

</pallas_src>

<mosaic_0001>
#map = affine_map<(d0, d1) -> (0, 0)>
#map1 = affine_map<(d0, d1) -> (0, 0, 0)>
module attributes {stable_mosaic.version = 14 : i64} {
  func.func @_gather_kernel(%arg0: i32, %arg1: i32, %arg2: memref<4096x200xi32, #tpu.memory_space<hbm>>, %arg3: memref<2000000x64xf32, #tpu.memory_space<hbm>>, %arg4: memref<200x2048x128xf32, #tpu.memory_space<hbm>>, %arg5: memref<128x200xi32, #tpu.memory_space<vmem>>, %arg6: memref<200x64xf32, #tpu.memory_space<vmem>>, %arg7: memref<200x64xf32, #tpu.memory_space<vmem>>, %arg8: memref<200x64xf32, #tpu.memory_space<vmem>>, %arg9: memref<200x64xf32, #tpu.memory_space<vmem>>, %arg10: memref<!tpu.dma_semaphore, #tpu.memory_space<semaphore_mem>>, %arg11: memref<!tpu.dma_semaphore, #tpu.memory_space<semaphore_mem>>, %arg12: memref<!tpu.dma_semaphore, #tpu.memory_space<semaphore_mem>>, %arg13: memref<!tpu.dma_semaphore, #tpu.memory_space<semaphore_mem>>, %arg14: memref<!tpu.dma_semaphore, #tpu.memory_space<semaphore_mem>>, %arg15: memref<!tpu.dma_semaphore, #tpu.memory_space<semaphore_mem>>, %arg16: memref<!tpu.dma_semaphore, #tpu.memory_space<semaphore_mem>>, %arg17: memref<!tpu.dma_semaphore, #tpu.memory_space<semaphore_mem>>, %arg18: memref<!tpu.dma_semaphore, #tpu.memory_space<semaphore_mem>>, %arg19: memref<!tpu.dma_semaphore, #tpu.memory_space<semaphore_mem>>, %arg20: memref<!tpu.dma_semaphore, #tpu.memory_space<semaphore_mem>>, %arg21: memref<!tpu.dma_semaphore, #tpu.memory_space<semaphore_mem>>) attributes {dimension_semantics = [#tpu.dimension_semantics<core_parallel>, #tpu.dimension_semantics<subcore_parallel>], iteration_bounds = array<i64: 2, 16>, scalar_prefetch = 0 : i64, scratch_operands = 17 : i64, tpu.core_type = #tpu.core_type<sc_vector_subcore>, window_params = [{transform_indices = #map}, {transform_indices = #map}, {transform_indices = #map1}]} {
    %mul3A = arith.constant 2 : i32
    %mul3A_0 = arith.muli %arg1, %mul3A : i32
    %add3A = arith.addi %mul3A_0, %arg0 : i32
    %mul3A_1 = arith.constant 128 : i32
    %mul3A_2 = arith.muli %add3A, %mul3A_1 : i32
    "tpu.region"() ({
      %run_scoped3A = tpu.sem_alloc : memref<!tpu.dma_semaphore, #tpu.memory_space<semaphore_mem>>
      %dma_start3A_72 = arith.constant 0 : i32
      %dma_start3A_73 = tpu.memref_slice %arg2[%mul3A_2, %dma_start3A_72] : memref<4096x200xi32, #tpu.memory_space<hbm>> -> memref<128x200xi32, #tpu.memory_space<hbm>>
      %dma_start3A_74 = arith.constant 0 : i32
      %dma_start3A_75 = tpu.memref_slice %arg2[%mul3A_2, %dma_start3A_74] : memref<4096x200xi32, #tpu.memory_space<hbm>> -> memref<128x200xi32, #tpu.memory_space<hbm>>
      tpu.enqueue_dma source(%dma_start3A_75 : memref<128x200xi32, #tpu.memory_space<hbm>>) target(%arg5 : memref<128x200xi32, #tpu.memory_space<vmem>>) target_semaphore(%run_scoped3A : memref<!tpu.dma_semaphore, #tpu.memory_space<semaphore_mem>>)
      %dma_wait3A_76 = arith.constant 0 : i32
      %dma_wait3A_77 = tpu.memref_slice %arg2[%mul3A_2, %dma_wait3A_76] : memref<4096x200xi32, #tpu.memory_space<hbm>> -> memref<128x200xi32, #tpu.memory_space<hbm>>
      %dma_wait3A_78 = arith.constant 0 : i32
      %dma_wait3A_79 = tpu.memref_slice %arg2[%mul3A_2, %dma_wait3A_78] : memref<4096x200xi32, #tpu.memory_space<hbm>> -> memref<128x200xi32, #tpu.memory_space<hbm>>
      tpu.wait_dma2 semaphore(%run_scoped3A : memref<!tpu.dma_semaphore, #tpu.memory_space<semaphore_mem>>) src(%dma_wait3A_79 : memref<128x200xi32, #tpu.memory_space<hbm>>) dst(%arg5 : memref<128x200xi32, #tpu.memory_space<vmem>>)
      tpu.yield
    }) : () -> ()
    %dma_start3A = arith.constant 0 : i32
    %dma_start3A_3 = arith.constant 0 : i32
    %dma_start3A_4 = arith.constant 0 : i32
    %dma_start3A_5 = tpu.memref_slice %arg6[%dma_start3A_3, %dma_start3A_4] : memref<200x64xf32, #tpu.memory_space<vmem>> -> memref<128x64xf32, #tpu.memory_space<vmem>>
    %dma_start3A_6 = arith.constant 0 : i32
    %dma_start3A_7 = tpu.memref_slice %arg5[%dma_start3A, %dma_start3A_6] : memref<128x200xi32, #tpu.memory_space<vmem>> -> memref<1x128xi32, #tpu.memory_space<vmem>>
    %dma_start3A_8 = tpu.memref_squeeze %dma_start3A_7 : memref<1x128xi32, #tpu.memory_space<vmem>> -> memref<128xi32, #tpu.memory_space<vmem>>
    %dma_start3A_9 = arith.constant 0 : i32
    %dma_start3A_10 = arith.constant 0 : i32
    %dma_start3A_11 = tpu.memref_slice %arg3[%dma_start3A_9, %dma_start3A_10] : memref<2000000x64xf32, #tpu.memory_space<hbm>> -> memref<2000000x64xf32, #tpu.memory_space<hbm>>
    tpu.enqueue_indirect_dma source(%dma_start3A_11 : memref<2000000x64xf32, #tpu.memory_space<hbm>>) target(%dma_start3A_5 : memref<128x64xf32, #tpu.memory_space<vmem>>) offsets(%dma_start3A_8 : memref<128xi32, #tpu.memory_space<vmem>>) semaphore(%arg10 : memref<!tpu.dma_semaphore, #tpu.memory_space<semaphore_mem>>)
    %dma_start3A_12 = arith.constant 0 : i32
    %dma_start3A_13 = arith.constant 128 : i32
    %dma_start3A_14 = arith.constant 0 : i32
    %dma_start3A_15 = tpu.memref_slice %arg6[%dma_start3A_13, %dma_start3A_14] : memref<200x64xf32, #tpu.memory_space<vmem>> -> memref<72x64xf32, #tpu.memory_space<vmem>>
    %dma_start3A_16 = arith.constant 128 : i32
    %dma_start3A_17 = tpu.memref_slice %arg5[%dma_start3A_12, %dma_start3A_16] : memref<128x200xi32, #tpu.memory_space<vmem>> -> memref<1x72xi32, #tpu.memory_space<vmem>>
    %dma_start3A_18 = tpu.memref_squeeze %dma_start3A_17 : memref<1x72xi32, #tpu.memory_space<vmem>> -> memref<72xi32, #tpu.memory_space<vmem>>
    %dma_start3A_19 = arith.constant 0 : i32
    %dma_start3A_20 = arith.constant 0 : i32
    %dma_start3A_21 = tpu.memref_slice %arg3[%dma_start3A_19, %dma_start3A_20] : memref<2000000x64xf32, #tpu.memory_space<hbm>> -> memref<2000000x64xf32, #tpu.memory_space<hbm>>
    tpu.enqueue_indirect_dma source(%dma_start3A_21 : memref<2000000x64xf32, #tpu.memory_space<hbm>>) target(%dma_start3A_15 : memref<72x64xf32, #tpu.memory_space<vmem>>) offsets(%dma_start3A_18 : memref<72xi32, #tpu.memory_space<vmem>>) semaphore(%arg14 : memref<!tpu.dma_semaphore, #tpu.memory_space<semaphore_mem>>)
    %scan3A = arith.constant 0 : i32
    %scan3A_22 = arith.constant 0 : i32
    %scan3A_23 = arith.constant 32 : i32
    %scan3A_24 = arith.addi %scan3A_22, %scan3A_23 : i32
    %scan3A_25 = arith.constant 1 : i32
    scf.for %scan3A_72 = %scan3A_22 to %scan3A_24 step %scan3A_25  : i32 {
      %mul3A_73 = arith.constant 4 : i32
      %mul3A_74 = arith.muli %scan3A_72, %mul3A_73 : i32
      %add3A_75 = arith.constant 0 : i32
      %add3A_76 = arith.addi %mul3A_74, %add3A_75 : i32
      %ge3A = arith.constant 1 : i32
      %ge3A_77 = arith.cmpi sge, %scan3A_72, %ge3A : i32
      %convert_element_type3A = arith.extui %ge3A_77 : i1 to i32
      %cond3A = arith.constant 0 : i32
      %cond3A_78 = arith.cmpi ne, %convert_element_type3A, %cond3A : i32
      scf.if %cond3A_78 {
        %rem3A_321 = arith.constant 16 : i32
        %rem3A_322 = arith.remsi %add3A, %rem3A_321 : i32
        %mul3A_323 = arith.constant 128 : i32
        %mul3A_324 = arith.muli %rem3A_322, %mul3A_323 : i32
        %add3A_325 = arith.constant 0 : i32
        %add3A_326 = arith.addi %mul3A_324, %add3A_325 : i32
        %div3A_327 = arith.constant 16 : i32
        %div3A_328 = arith.divsi %add3A, %div3A_327 : i32
        %mul3A_329 = arith.constant 64 : i32
        %mul3A_330 = arith.muli %div3A_328, %mul3A_329 : i32
        %dma_wait3A_331 = arith.constant 0 : i32
        %dma_wait3A_332 = tpu.memref_slice %arg4[%dma_wait3A_331, %add3A_326, %mul3A_330] : memref<200x2048x128xf32, #tpu.memory_space<hbm>> -> memref<200x1x64xf32, #tpu.memory_space<hbm>>
        %dma_wait3A_333 = tpu.memref_squeeze %dma_wait3A_332 : memref<200x1x64xf32, #tpu.memory_space<hbm>> -> memref<200x64xf32, #tpu.memory_space<hbm>>
        %dma_wait3A_334 = arith.constant 0 : i32
        %dma_wait3A_335 = tpu.memref_slice %arg4[%dma_wait3A_334, %add3A_326, %mul3A_330] : memref<200x2048x128xf32, #tpu.memory_space<hbm>> -> memref<200x1x64xf32, #tpu.memory_space<hbm>>
        %dma_wait3A_336 = tpu.memref_squeeze %dma_wait3A_335 : memref<200x1x64xf32, #tpu.memory_space<hbm>> -> memref<200x64xf32, #tpu.memory_space<hbm>>
        tpu.wait_dma2 semaphore(%arg19 : memref<!tpu.dma_semaphore, #tpu.memory_space<semaphore_mem>>) src(%arg7 : memref<200x64xf32, #tpu.memory_space<vmem>>) dst(%dma_wait3A_336 : memref<200x64xf32, #tpu.memory_space<hbm>>)
      } else {
      }
      %add3A_79 = arith.constant 1 : i32
      %add3A_80 = arith.addi %add3A_76, %add3A_79 : i32
      %dma_start3A_81 = arith.constant 0 : i32
      %dma_start3A_82 = arith.constant 0 : i32
      %dma_start3A_83 = tpu.memref_slice %arg7[%dma_start3A_81, %dma_start3A_82] : memref<200x64xf32, #tpu.memory_space<vmem>> -> memref<128x64xf32, #tpu.memory_space<vmem>>
      %dma_start3A_84 = arith.constant 0 : i32
      %dma_start3A_85 = tpu.memref_slice %arg5[%add3A_80, %dma_start3A_84] : memref<128x200xi32, #tpu.memory_space<vmem>> -> memref<1x128xi32, #tpu.memory_space<vmem>>
      %dma_start3A_86 = tpu.memref_squeeze %dma_start3A_85 : memref<1x128xi32, #tpu.memory_space<vmem>> -> memref<128xi32, #tpu.memory_space<vmem>>
      %dma_start3A_87 = arith.constant 0 : i32
      %dma_start3A_88 = arith.constant 0 : i32
      %dma_start3A_89 = tpu.memref_slice %arg3[%dma_start3A_87, %dma_start3A_88] : memref<2000000x64xf32, #tpu.memory_space<hbm>> -> memref<2000000x64xf32, #tpu.memory_space<hbm>>
      tpu.enqueue_indirect_dma source(%dma_start3A_89 : memref<2000000x64xf32, #tpu.memory_space<hbm>>) target(%dma_start3A_83 : memref<128x64xf32, #tpu.memory_space<vmem>>) offsets(%dma_start3A_86 : memref<128xi32, #tpu.memory_space<vmem>>) semaphore(%arg11 : memref<!tpu.dma_semaphore, #tpu.memory_space<semaphore_mem>>)
      %dma_start3A_90 = arith.constant 128 : i32
      %dma_start3A_91 = arith.constant 0 : i32
      %dma_start3A_92 = tpu.memref_slice %arg7[%dma_start3A_90, %dma_start3A_91] : memref<200x64xf32, #tpu.memory_space<vmem>> -> memref<72x64xf32, #tpu.memory_space<vmem>>
      %dma_start3A_93 = arith.constant 128 : i32
      %dma_start3A_94 = tpu.memref_slice %arg5[%add3A_80, %dma_start3A_93] : memref<128x200xi32, #tpu.memory_space<vmem>> -> memref<1x72xi32, #tpu.memory_space<vmem>>
      %dma_start3A_95 = tpu.memref_squeeze %dma_start3A_94 : memref<1x72xi32, #tpu.memory_space<vmem>> -> memref<72xi32, #tpu.memory_space<vmem>>
      %dma_start3A_96 = arith.constant 0 : i32
      %dma_start3A_97 = arith.constant 0 : i32
      %dma_start3A_98 = tpu.memref_slice %arg3[%dma_start3A_96, %dma_start3A_97] : memref<2000000x64xf32, #tpu.memory_space<hbm>> -> memref<2000000x64xf32, #tpu.memory_space<hbm>>
      tpu.enqueue_indirect_dma source(%dma_start3A_98 : memref<2000000x64xf32, #tpu.memory_space<hbm>>) target(%dma_start3A_92 : memref<72x64xf32, #tpu.memory_space<vmem>>) offsets(%dma_start3A_95 : memref<72xi32, #tpu.memory_space<vmem>>) semaphore(%arg15 : memref<!tpu.dma_semaphore, #tpu.memory_space<semaphore_mem>>)
      %dma_wait3A_99 = arith.constant 0 : i32
      %dma_wait3A_100 = arith.constant 0 : i32
      %dma_wait3A_101 = arith.constant 0 : i32
      %dma_wait3A_102 = tpu.memref_slice %arg6[%dma_wait3A_100, %dma_wait3A_101] : memref<200x64xf32, #tpu.memory_space<vmem>> -> memref<128x64xf32, #tpu.memory_space<vmem>>
      %dma_wait3A_103 = arith.constant 0 : i32
      %dma_wait3A_104 = tpu.memref_slice %arg5[%dma_wait3A_99, %dma_wait3A_103] : memref<128x200xi32, #tpu.memory_space<vmem>> -> memref<1x128xi32, #tpu.memory_space<vmem>>
      %dma_wait3A_105 = tpu.memref_squeeze %dma_wait3A_104 : memref<1x128xi32, #tpu.memory_space<vmem>> -> memref<128xi32, #tpu.memory_space<vmem>>
      %dma_wait3A_106 = arith.constant 0 : i32
      %dma_wait3A_107 = arith.constant 0 : i32
      %dma_wait3A_108 = tpu.memref_slice %arg3[%dma_wait3A_106, %dma_wait3A_107] : memref<2000000x64xf32, #tpu.memory_space<hbm>> -> memref<2000000x64xf32, #tpu.memory_space<hbm>>
      tpu.wait_indirect_dma semaphore(%arg10 : memref<!tpu.dma_semaphore, #tpu.memory_space<semaphore_mem>>) src(%dma_wait3A_108 : memref<2000000x64xf32, #tpu.memory_space<hbm>>) dst(%dma_wait3A_102 : memref<128x64xf32, #tpu.memory_space<vmem>>)
      %dma_wait3A_109 = arith.constant 0 : i32
      %dma_wait3A_110 = arith.constant 128 : i32
      %dma_wait3A_111 = arith.constant 0 : i32
      %dma_wait3A_112 = tpu.memref_slice %arg6[%dma_wait3A_110, %dma_wait3A_111] : memref<200x64xf32, #tpu.memory_space<vmem>> -> memref<72x64xf32, #tpu.memory_space<vmem>>
      %dma_wait3A_113 = arith.constant 128 : i32
      %dma_wait3A_114 = tpu.memref_slice %arg5[%dma_wait3A_109, %dma_wait3A_113] : memref<128x200xi32, #tpu.memory_space<vmem>> -> memref<1x72xi32, #tpu.memory_space<vmem>>
      %dma_wait3A_115 = tpu.memref_squeeze %dma_wait3A_114 : memref<1x72xi32, #tpu.memory_space<vmem>> -> memref<72xi32, #tpu.memory_space<vmem>>
      %dma_wait3A_116 = arith.constant 0 : i32
      %dma_wait3A_117 = arith.constant 0 : i32
      %dma_wait3A_118 = tpu.memref_slice %arg3[%dma_wait3A_116, %dma_wait3A_117] : memref<2000000x64xf32, #tpu.memory_space<hbm>> -> memref<2000000x64xf32, #tpu.memory_space<hbm>>
      tpu.wait_indirect_dma semaphore(%arg14 : memref<!tpu.dma_semaphore, #tpu.memory_space<semaphore_mem>>) src(%dma_wait3A_118 : memref<2000000x64xf32, #tpu.memory_space<hbm>>) dst(%dma_wait3A_112 : memref<72x64xf32, #tpu.memory_space<vmem>>)
      %rem3A_119 = arith.constant 16 : i32
      %rem3A_120 = arith.remsi %add3A, %rem3A_119 : i32
      %mul3A_121 = arith.constant 128 : i32
      %mul3A_122 = arith.muli %rem3A_120, %mul3A_121 : i32
      %add3A_123 = arith.addi %mul3A_122, %add3A_76 : i32
      %div3A_124 = arith.constant 16 : i32
      %div3A_125 = arith.divsi %add3A, %div3A_124 : i32
      %mul3A_126 = arith.constant 64 : i32
      %mul3A_127 = arith.muli %div3A_125, %mul3A_126 : i32
      %dma_start3A_128 = arith.constant 0 : i32
      %dma_start3A_129 = tpu.memref_slice %arg4[%dma_start3A_128, %add3A_123, %mul3A_127] : memref<200x2048x128xf32, #tpu.memory_space<hbm>> -> memref<200x1x64xf32, #tpu.memory_space<hbm>>
      %dma_start3A_130 = tpu.memref_squeeze %dma_start3A_129 : memref<200x1x64xf32, #tpu.memory_space<hbm>> -> memref<200x64xf32, #tpu.memory_space<hbm>>
      %dma_start3A_131 = arith.constant 0 : i32
      %dma_start3A_132 = tpu.memref_slice %arg4[%dma_start3A_131, %add3A_123, %mul3A_127] : memref<200x2048x128xf32, #tpu.memory_space<hbm>> -> memref<200x1x64xf32, #tpu.memory_space<hbm>>
      %dma_start3A_133 = tpu.memref_squeeze %dma_start3A_132 : memref<200x1x64xf32, #tpu.memory_space<hbm>> -> memref<200x64xf32, #tpu.memory_space<hbm>>
      tpu.enqueue_dma source(%arg6 : memref<200x64xf32, #tpu.memory_space<vmem>>) target(%dma_start3A_133 : memref<200x64xf32, #tpu.memory_space<hbm>>) target_semaphore(%arg18 : memref<!tpu.dma_semaphore, #tpu.memory_space<semaphore_mem>>)
      %mul3A_134 = arith.constant 4 : i32
      %mul3A_135 = arith.muli %scan3A_72, %mul3A_134 : i32
      %add3A_136 = arith.constant 1 : i32
      %add3A_137 = arith.addi %mul3A_135, %add3A_136 : i32
      %ge3A_138 = arith.constant 1 : i32
      %ge3A_139 = arith.cmpi sge, %scan3A_72, %ge3A_138 : i32
      %convert_element_type3A_140 = arith.extui %ge3A_139 : i1 to i32
      %cond3A_141 = arith.constant 0 : i32
      %cond3A_142 = arith.cmpi ne, %convert_element_type3A_140, %cond3A_141 : i32
      scf.if %cond3A_142 {
        %rem3A_321 = arith.constant 16 : i32
        %rem3A_322 = arith.remsi %add3A, %rem3A_321 : i32
        %mul3A_323 = arith.constant 128 : i32
        %mul3A_324 = arith.muli %rem3A_322, %mul3A_323 : i32
        %add3A_325 = arith.constant 0 : i32
        %add3A_326 = arith.addi %mul3A_324, %add3A_325 : i32
        %div3A_327 = arith.constant 16 : i32
        %div3A_328 = arith.divsi %add3A, %div3A_327 : i32
        %mul3A_329 = arith.constant 64 : i32
        %mul3A_330 = arith.muli %div3A_328, %mul3A_329 : i32
        %dma_wait3A_331 = arith.constant 0 : i32
        %dma_wait3A_332 = tpu.memref_slice %arg4[%dma_wait3A_331, %add3A_326, %mul3A_330] : memref<200x2048x128xf32, #tpu.memory_space<hbm>> -> memref<200x1x64xf32, #tpu.memory_space<hbm>>
        %dma_wait3A_333 = tpu.memref_squeeze %dma_wait3A_332 : memref<200x1x64xf32, #tpu.memory_space<hbm>> -> memref<200x64xf32, #tpu.memory_space<hbm>>
        %dma_wait3A_334 = arith.constant 0 : i32
        %dma_wait3A_335 = tpu.memref_slice %arg4[%dma_wait3A_334, %add3A_326, %mul3A_330] : memref<200x2048x128xf32, #tpu.memory_space<hbm>> -> memref<200x1x64xf32, #tpu.memory_space<hbm>>
        %dma_wait3A_336 = tpu.memref_squeeze %dma_wait3A_335 : memref<200x1x64xf32, #tpu.memory_space<hbm>> -> memref<200x64xf32, #tpu.memory_space<hbm>>
        tpu.wait_dma2 semaphore(%arg20 : memref<!tpu.dma_semaphore, #tpu.memory_space<semaphore_mem>>) src(%arg8 : memref<200x64xf32, #tpu.memory_space<vmem>>) dst(%dma_wait3A_336 : memref<200x64xf32, #tpu.memory_space<hbm>>)
      } else {
      }
      %add3A_143 = arith.constant 1 : i32
      %add3A_144 = arith.addi %add3A_137, %add3A_143 : i32
      %dma_start3A_145 = arith.constant 0 : i32
      %dma_start3A_146 = arith.constant 0 : i32
      %dma_start3A_147 = tpu.memref_slice %arg8[%dma_start3A_145, %dma_start3A_146] : memref<200x64xf32, #tpu.memory_space<vmem>> -> memref<128x64xf32, #tpu.memory_space<vmem>>
      %dma_start3A_148 = arith.constant 0 : i32
      %dma_start3A_149 = tpu.memref_slice %arg5[%add3A_144, %dma_start3A_148] : memref<128x200xi32, #tpu.memory_space<vmem>> -> memref<1x128xi32, #tpu.memory_space<vmem>>
      %dma_start3A_150 = tpu.memref_squeeze %dma_start3A_149 : memref<1x128xi32, #tpu.memory_space<vmem>> -> memref<128xi32, #tpu.memory_space<vmem>>
      %dma_start3A_151 = arith.constant 0 : i32
      %dma_start3A_152 = arith.constant 0 : i32
      %dma_start3A_153 = tpu.memref_slice %arg3[%dma_start3A_151, %dma_start3A_152] : memref<2000000x64xf32, #tpu.memory_space<hbm>> -> memref<2000000x64xf32, #tpu.memory_space<hbm>>
      tpu.enqueue_indirect_dma source(%dma_start3A_153 : memref<2000000x64xf32, #tpu.memory_space<hbm>>) target(%dma_start3A_147 : memref<128x64xf32, #tpu.memory_space<vmem>>) offsets(%dma_start3A_150 : memref<128xi32, #tpu.memory_space<vmem>>) semaphore(%arg12 : memref<!tpu.dma_semaphore, #tpu.memory_space<semaphore_mem>>)
      %dma_start3A_154 = arith.constant 128 : i32
      %dma_start3A_155 = arith.constant 0 : i32
      %dma_start3A_156 = tpu.memref_slice %arg8[%dma_start3A_154, %dma_start3A_155] : memref<200x64xf32, #tpu.memory_space<vmem>> -> memref<72x64xf32, #tpu.memory_space<vmem>>
      %dma_start3A_157 = arith.constant 128 : i32
      %dma_start3A_158 = tpu.memref_slice %arg5[%add3A_144, %dma_start3A_157] : memref<128x200xi32, #tpu.memory_space<vmem>> -> memref<1x72xi32, #tpu.memory_space<vmem>>
      %dma_start3A_159 = tpu.memref_squeeze %dma_start3A_158 : memref<1x72xi32, #tpu.memory_space<vmem>> -> memref<72xi32, #tpu.memory_space<vmem>>
      %dma_start3A_160 = arith.constant 0 : i32
      %dma_start3A_161 = arith.constant 0 : i32
      %dma_start3A_162 = tpu.memref_slice %arg3[%dma_start3A_160, %dma_start3A_161] : memref<2000000x64xf32, #tpu.memory_space<hbm>> -> memref<2000000x64xf32, #tpu.memory_space<hbm>>
      tpu.enqueue_indirect_dma source(%dma_start3A_162 : memref<2000000x64xf32, #tpu.memory_space<hbm>>) target(%dma_start3A_156 : memref<72x64xf32, #tpu.memory_space<vmem>>) offsets(%dma_start3A_159 : memref<72xi32, #tpu.memory_space<vmem>>) semaphore(%arg16 : memref<!tpu.dma_semaphore, #tpu.memory_space<semaphore_mem>>)
      %dma_wait3A_163 = arith.constant 0 : i32
      %dma_wait3A_164 = arith.constant 0 : i32
      %dma_wait3A_165 = arith.constant 0 : i32
      %dma_wait3A_166 = tpu.memref_slice %arg7[%dma_wait3A_164, %dma_wait3A_165] : memref<200x64xf32, #tpu.memory_space<vmem>> -> memref<128x64xf32, #tpu.memory_space<vmem>>
      %dma_wait3A_167 = arith.constant 0 : i32
      %dma_wait3A_168 = tpu.memref_slice %arg5[%dma_wait3A_163, %dma_wait3A_167] : memref<128x200xi32, #tpu.memory_space<vmem>> -> memref<1x128xi32, #tpu.memory_space<vmem>>
      %dma_wait3A_169 = tpu.memref_squeeze %dma_wait3A_168 : memref<1x128xi32, #tpu.memory_space<vmem>> -> memref<128xi32, #tpu.memory_space<vmem>>
      %dma_wait3A_170 = arith.constant 0 : i32
      %dma_wait3A_171 = arith.constant 0 : i32
      %dma_wait3A_172 = tpu.memref_slice %arg3[%dma_wait3A_170, %dma_wait3A_171] : memref<2000000x64xf32, #tpu.memory_space<hbm>> -> memref<2000000x64xf32, #tpu.memory_space<hbm>>
      tpu.wait_indirect_dma semaphore(%arg11 : memref<!tpu.dma_semaphore, #tpu.memory_space<semaphore_mem>>) src(%dma_wait3A_172 : memref<2000000x64xf32, #tpu.memory_space<hbm>>) dst(%dma_wait3A_166 : memref<128x64xf32, #tpu.memory_space<vmem>>)
      %dma_wait3A_173 = arith.constant 0 : i32
      %dma_wait3A_174 = arith.constant 128 : i32
      %dma_wait3A_175 = arith.constant 0 : i32
      %dma_wait3A_176 = tpu.memref_slice %arg7[%dma_wait3A_174, %dma_wait3A_175] : memref<200x64xf32, #tpu.memory_space<vmem>> -> memref<72x64xf32, #tpu.memory_space<vmem>>
      %dma_wait3A_177 = arith.constant 128 : i32
      %dma_wait3A_178 = tpu.memref_slice %arg5[%dma_wait3A_173, %dma_wait3A_177] : memref<128x200xi32, #tpu.memory_space<vmem>> -> memref<1x72xi32, #tpu.memory_space<vmem>>
      %dma_wait3A_179 = tpu.memref_squeeze %dma_wait3A_178 : memref<1x72xi32, #tpu.memory_space<vmem>> -> memref<72xi32, #tpu.memory_space<vmem>>
      %dma_wait3A_180 = arith.constant 0 : i32
      %dma_wait3A_181 = arith.constant 0 : i32
      %dma_wait3A_182 = tpu.memref_slice %arg3[%dma_wait3A_180, %dma_wait3A_181] : memref<2000000x64xf32, #tpu.memory_space<hbm>> -> memref<2000000x64xf32, #tpu.memory_space<hbm>>
      tpu.wait_indirect_dma semaphore(%arg15 : memref<!tpu.dma_semaphore, #tpu.memory_space<semaphore_mem>>) src(%dma_wait3A_182 : memref<2000000x64xf32, #tpu.memory_space<hbm>>) dst(%dma_wait3A_176 : memref<72x64xf32, #tpu.memory_space<vmem>>)
      %rem3A_183 = arith.constant 16 : i32
      %rem3A_184 = arith.remsi %add3A, %rem3A_183 : i32
      %mul3A_185 = arith.constant 128 : i32
      %mul3A_186 = arith.muli %rem3A_184, %mul3A_185 : i32
      %add3A_187 = arith.addi %mul3A_186, %add3A_137 : i32
      %div3A_188 = arith.constant 16 : i32
      %div3A_189 = arith.divsi %add3A, %div3A_188 : i32
      %mul3A_190 = arith.constant 64 : i32
      %mul3A_191 = arith.muli %div3A_189, %mul3A_190 : i32
      %dma_start3A_192 = arith.constant 0 : i32
      %dma_start3A_193 = tpu.memref_slice %arg4[%dma_start3A_192, %add3A_187, %mul3A_191] : memref<200x2048x128xf32, #tpu.memory_space<hbm>> -> memref<200x1x64xf32, #tpu.memory_space<hbm>>
      %dma_start3A_194 = tpu.memref_squeeze %dma_start3A_193 : memref<200x1x64xf32, #tpu.memory_space<hbm>> -> memref<200x64xf32, #tpu.memory_space<hbm>>
      %dma_start3A_195 = arith.constant 0 : i32
      %dma_start3A_196 = tpu.memref_slice %arg4[%dma_start3A_195, %add3A_187, %mul3A_191] : memref<200x2048x128xf32, #tpu.memory_space<hbm>> -> memref<200x1x64xf32, #tpu.memory_space<hbm>>
      %dma_start3A_197 = tpu.memref_squeeze %dma_start3A_196 : memref<200x1x64xf32, #tpu.memory_space<hbm>> -> memref<200x64xf32, #tpu.memory_space<hbm>>
      tpu.enqueue_dma source(%arg7 : memref<200x64xf32, #tpu.memory_space<vmem>>) target(%dma_start3A_197 : memref<200x64xf32, #tpu.memory_space<hbm>>) target_semaphore(%arg19 : memref<!tpu.dma_semaphore, #tpu.memory_space<semaphore_mem>>)
      %mul3A_198 = arith.constant 4 : i32
      %mul3A_199 = arith.muli %scan3A_72, %mul3A_198 : i32
      %add3A_200 = arith.constant 2 : i32
      %add3A_201 = arith.addi %mul3A_199, %add3A_200 : i32
      %ge3A_202 = arith.constant 1 : i32
      %ge3A_203 = arith.cmpi sge, %scan3A_72, %ge3A_202 : i32
      %convert_element_type3A_204 = arith.extui %ge3A_203 : i1 to i32
      %cond3A_205 = arith.constant 0 : i32
      %cond3A_206 = arith.cmpi ne, %convert_element_type3A_204, %cond3A_205 : i32
      scf.if %cond3A_206 {
        %rem3A_321 = arith.constant 16 : i32
        %rem3A_322 = arith.remsi %add3A, %rem3A_321 : i32
        %mul3A_323 = arith.constant 128 : i32
        %mul3A_324 = arith.muli %rem3A_322, %mul3A_323 : i32
        %add3A_325 = arith.constant 0 : i32
        %add3A_326 = arith.addi %mul3A_324, %add3A_325 : i32
        %div3A_327 = arith.constant 16 : i32
        %div3A_328 = arith.divsi %add3A, %div3A_327 : i32
        %mul3A_329 = arith.constant 64 : i32
        %mul3A_330 = arith.muli %div3A_328, %mul3A_329 : i32
        %dma_wait3A_331 = arith.constant 0 : i32
        %dma_wait3A_332 = tpu.memref_slice %arg4[%dma_wait3A_331, %add3A_326, %mul3A_330] : memref<200x2048x128xf32, #tpu.memory_space<hbm>> -> memref<200x1x64xf32, #tpu.memory_space<hbm>>
        %dma_wait3A_333 = tpu.memref_squeeze %dma_wait3A_332 : memref<200x1x64xf32, #tpu.memory_space<hbm>> -> memref<200x64xf32, #tpu.memory_space<hbm>>
        %dma_wait3A_334 = arith.constant 0 : i32
        %dma_wait3A_335 = tpu.memref_slice %arg4[%dma_wait3A_334, %add3A_326, %mul3A_330] : memref<200x2048x128xf32, #tpu.memory_space<hbm>> -> memref<200x1x64xf32, #tpu.memory_space<hbm>>
        %dma_wait3A_336 = tpu.memref_squeeze %dma_wait3A_335 : memref<200x1x64xf32, #tpu.memory_space<hbm>> -> memref<200x64xf32, #tpu.memory_space<hbm>>
        tpu.wait_dma2 semaphore(%arg21 : memref<!tpu.dma_semaphore, #tpu.memory_space<semaphore_mem>>) src(%arg9 : memref<200x64xf32, #tpu.memory_space<vmem>>) dst(%dma_wait3A_336 : memref<200x64xf32, #tpu.memory_space<hbm>>)
      } else {
      }
      %add3A_207 = arith.constant 1 : i32
      %add3A_208 = arith.addi %add3A_201, %add3A_207 : i32
      %dma_start3A_209 = arith.constant 0 : i32
      %dma_start3A_210 = arith.constant 0 : i32
      %dma_start3A_211 = tpu.memref_slice %arg9[%dma_start3A_209, %dma_start3A_210] : memref<200x64xf32, #tpu.memory_space<vmem>> -> memref<128x64xf32, #tpu.memory_space<vmem>>
      %dma_start3A_212 = arith.constant 0 : i32
      %dma_start3A_213 = tpu.memref_slice %arg5[%add3A_208, %dma_start3A_212] : memref<128x200xi32, #tpu.memory_space<vmem>> -> memref<1x128xi32, #tpu.memory_space<vmem>>
      %dma_start3A_214 = tpu.memref_squeeze %dma_start3A_213 : memref<1x128xi32, #tpu.memory_space<vmem>> -> memref<128xi32, #tpu.memory_space<vmem>>
      %dma_start3A_215 = arith.constant 0 : i32
      %dma_start3A_216 = arith.constant 0 : i32
      %dma_start3A_217 = tpu.memref_slice %arg3[%dma_start3A_215, %dma_start3A_216] : memref<2000000x64xf32, #tpu.memory_space<hbm>> -> memref<2000000x64xf32, #tpu.memory_space<hbm>>
      tpu.enqueue_indirect_dma source(%dma_start3A_217 : memref<2000000x64xf32, #tpu.memory_space<hbm>>) target(%dma_start3A_211 : memref<128x64xf32, #tpu.memory_space<vmem>>) offsets(%dma_start3A_214 : memref<128xi32, #tpu.memory_space<vmem>>) semaphore(%arg13 : memref<!tpu.dma_semaphore, #tpu.memory_space<semaphore_mem>>)
      %dma_start3A_218 = arith.constant 128 : i32
      %dma_start3A_219 = arith.constant 0 : i32
      %dma_start3A_220 = tpu.memref_slice %arg9[%dma_start3A_218, %dma_start3A_219] : memref<200x64xf32, #tpu.memory_space<vmem>> -> memref<72x64xf32, #tpu.memory_space<vmem>>
      %dma_start3A_221 = arith.constant 128 : i32
      %dma_start3A_222 = tpu.memref_slice %arg5[%add3A_208, %dma_start3A_221] : memref<128x200xi32, #tpu.memory_space<vmem>> -> memref<1x72xi32, #tpu.memory_space<vmem>>
      %dma_start3A_223 = tpu.memref_squeeze %dma_start3A_222 : memref<1x72xi32, #tpu.memory_space<vmem>> -> memref<72xi32, #tpu.memory_space<vmem>>
      %dma_start3A_224 = arith.constant 0 : i32
      %dma_start3A_225 = arith.constant 0 : i32
      %dma_start3A_226 = tpu.memref_slice %arg3[%dma_start3A_224, %dma_start3A_225] : memref<2000000x64xf32, #tpu.memory_space<hbm>> -> memref<2000000x64xf32, #tpu.memory_space<hbm>>
      tpu.enqueue_indirect_dma source(%dma_start3A_226 : memref<2000000x64xf32, #tpu.memory_space<hbm>>) target(%dma_start3A_220 : memref<72x64xf32, #tpu.memory_space<vmem>>) offsets(%dma_start3A_223 : memref<72xi32, #tpu.memory_space<vmem>>) semaphore(%arg17 : memref<!tpu.dma_semaphore, #tpu.memory_space<semaphore_mem>>)
      %dma_wait3A_227 = arith.constant 0 : i32
      %dma_wait3A_228 = arith.constant 0 : i32
      %dma_wait3A_229 = arith.constant 0 : i32
      %dma_wait3A_230 = tpu.memref_slice %arg8[%dma_wait3A_228, %dma_wait3A_229] : memref<200x64xf32, #tpu.memory_space<vmem>> -> memref<128x64xf32, #tpu.memory_space<vmem>>
      %dma_wait3A_231 = arith.constant 0 : i32
      %dma_wait3A_232 = tpu.memref_slice %arg5[%dma_wait3A_227, %dma_wait3A_231] : memref<128x200xi32, #tpu.memory_space<vmem>> -> memref<1x128xi32, #tpu.memory_space<vmem>>
      %dma_wait3A_233 = tpu.memref_squeeze %dma_wait3A_232 : memref<1x128xi32, #tpu.memory_space<vmem>> -> memref<128xi32, #tpu.memory_space<vmem>>
      %dma_wait3A_234 = arith.constant 0 : i32
      %dma_wait3A_235 = arith.constant 0 : i32
      %dma_wait3A_236 = tpu.memref_slice %arg3[%dma_wait3A_234, %dma_wait3A_235] : memref<2000000x64xf32, #tpu.memory_space<hbm>> -> memref<2000000x64xf32, #tpu.memory_space<hbm>>
      tpu.wait_indirect_dma semaphore(%arg12 : memref<!tpu.dma_semaphore, #tpu.memory_space<semaphore_mem>>) src(%dma_wait3A_236 : memref<2000000x64xf32, #tpu.memory_space<hbm>>) dst(%dma_wait3A_230 : memref<128x64xf32, #tpu.memory_space<vmem>>)
      %dma_wait3A_237 = arith.constant 0 : i32
      %dma_wait3A_238 = arith.constant 128 : i32
      %dma_wait3A_239 = arith.constant 0 : i32
      %dma_wait3A_240 = tpu.memref_slice %arg8[%dma_wait3A_238, %dma_wait3A_239] : memref<200x64xf32, #tpu.memory_space<vmem>> -> memref<72x64xf32, #tpu.memory_space<vmem>>
      %dma_wait3A_241 = arith.constant 128 : i32
      %dma_wait3A_242 = tpu.memref_slice %arg5[%dma_wait3A_237, %dma_wait3A_241] : memref<128x200xi32, #tpu.memory_space<vmem>> -> memref<1x72xi32, #tpu.memory_space<vmem>>
      %dma_wait3A_243 = tpu.memref_squeeze %dma_wait3A_242 : memref<1x72xi32, #tpu.memory_space<vmem>> -> memref<72xi32, #tpu.memory_space<vmem>>
      %dma_wait3A_244 = arith.constant 0 : i32
      %dma_wait3A_245 = arith.constant 0 : i32
      %dma_wait3A_246 = tpu.memref_slice %arg3[%dma_wait3A_244, %dma_wait3A_245] : memref<2000000x64xf32, #tpu.memory_space<hbm>> -> memref<2000000x64xf32, #tpu.memory_space<hbm>>
      tpu.wait_indirect_dma semaphore(%arg16 : memref<!tpu.dma_semaphore, #tpu.memory_space<semaphore_mem>>) src(%dma_wait3A_246 : memref<2000000x64xf32, #tpu.memory_space<hbm>>) dst(%dma_wait3A_240 : memref<72x64xf32, #tpu.memory_space<vmem>>)
      %rem3A_247 = arith.constant 16 : i32
      %rem3A_248 = arith.remsi %add3A, %rem3A_247 : i32
      %mul3A_249 = arith.constant 128 : i32
      %mul3A_250 = arith.muli %rem3A_248, %mul3A_249 : i32
      %add3A_251 = arith.addi %mul3A_250, %add3A_201 : i32
      %div3A_252 = arith.constant 16 : i32
      %div3A_253 = arith.divsi %add3A, %div3A_252 : i32
      %mul3A_254 = arith.constant 64 : i32
      %mul3A_255 = arith.muli %div3A_253, %mul3A_254 : i32
      %dma_start3A_256 = arith.constant 0 : i32
      %dma_start3A_257 = tpu.memref_slice %arg4[%dma_start3A_256, %add3A_251, %mul3A_255] : memref<200x2048x128xf32, #tpu.memory_space<hbm>> -> memref<200x1x64xf32, #tpu.memory_space<hbm>>
      %dma_start3A_258 = tpu.memref_squeeze %dma_start3A_257 : memref<200x1x64xf32, #tpu.memory_space<hbm>> -> memref<200x64xf32, #tpu.memory_space<hbm>>
      %dma_start3A_259 = arith.constant 0 : i32
      %dma_start3A_260 = tpu.memref_slice %arg4[%dma_start3A_259, %add3A_251, %mul3A_255] : memref<200x2048x128xf32, #tpu.memory_space<hbm>> -> memref<200x1x64xf32, #tpu.memory_space<hbm>>
      %dma_start3A_261 = tpu.memref_squeeze %dma_start3A_260 : memref<200x1x64xf32, #tpu.memory_space<hbm>> -> memref<200x64xf32, #tpu.memory_space<hbm>>
      tpu.enqueue_dma source(%arg8 : memref<200x64xf32, #tpu.memory_space<vmem>>) target(%dma_start3A_261 : memref<200x64xf32, #tpu.memory_space<hbm>>) target_semaphore(%arg20 : memref<!tpu.dma_semaphore, #tpu.memory_space<semaphore_mem>>)
      %mul3A_262 = arith.constant 4 : i32
      %mul3A_263 = arith.muli %scan3A_72, %mul3A_262 : i32
      %add3A_264 = arith.constant 3 : i32
      %add3A_265 = arith.addi %mul3A_263, %add3A_264 : i32
      %rem3A_266 = arith.constant 16 : i32
      %rem3A_267 = arith.remsi %add3A, %rem3A_266 : i32
      %mul3A_268 = arith.constant 128 : i32
      %mul3A_269 = arith.muli %rem3A_267, %mul3A_268 : i32
      %add3A_270 = arith.constant 0 : i32
      %add3A_271 = arith.addi %mul3A_269, %add3A_270 : i32
      %div3A_272 = arith.constant 16 : i32
      %div3A_273 = arith.divsi %add3A, %div3A_272 : i32
      %mul3A_274 = arith.constant 64 : i32
      %mul3A_275 = arith.muli %div3A_273, %mul3A_274 : i32
      %dma_wait3A_276 = arith.constant 0 : i32
      %dma_wait3A_277 = tpu.memref_slice %arg4[%dma_wait3A_276, %add3A_271, %mul3A_275] : memref<200x2048x128xf32, #tpu.memory_space<hbm>> -> memref<200x1x64xf32, #tpu.memory_space<hbm>>
      %dma_wait3A_278 = tpu.memref_squeeze %dma_wait3A_277 : memref<200x1x64xf32, #tpu.memory_space<hbm>> -> memref<200x64xf32, #tpu.memory_space<hbm>>
      %dma_wait3A_279 = arith.constant 0 : i32
      %dma_wait3A_280 = tpu.memref_slice %arg4[%dma_wait3A_279, %add3A_271, %mul3A_275] : memref<200x2048x128xf32, #tpu.memory_space<hbm>> -> memref<200x1x64xf32, #tpu.memory_space<hbm>>
      %dma_wait3A_281 = tpu.memref_squeeze %dma_wait3A_280 : memref<200x1x64xf32, #tpu.memory_space<hbm>> -> memref<200x64xf32, #tpu.memory_space<hbm>>
      tpu.wait_dma2 semaphore(%arg18 : memref<!tpu.dma_semaphore, #tpu.memory_space<semaphore_mem>>) src(%arg6 : memref<200x64xf32, #tpu.memory_space<vmem>>) dst(%dma_wait3A_281 : memref<200x64xf32, #tpu.memory_space<hbm>>)
      %lt3A = arith.constant 31 : i32
      %lt3A_282 = arith.cmpi slt, %scan3A_72, %lt3A : i32
      %convert_element_type3A_283 = arith.extui %lt3A_282 : i1 to i32
      %cond3A_284 = arith.constant 0 : i32
      %cond3A_285 = arith.cmpi ne, %convert_element_type3A_283, %cond3A_284 : i32
      scf.if %cond3A_285 {
        %add3A_321 = arith.constant 1 : i32
        %add3A_322 = arith.addi %add3A_265, %add3A_321 : i32
        %dma_start3A_323 = arith.constant 0 : i32
        %dma_start3A_324 = arith.constant 0 : i32
        %dma_start3A_325 = tpu.memref_slice %arg6[%dma_start3A_323, %dma_start3A_324] : memref<200x64xf32, #tpu.memory_space<vmem>> -> memref<128x64xf32, #tpu.memory_space<vmem>>
        %dma_start3A_326 = arith.constant 0 : i32
        %dma_start3A_327 = tpu.memref_slice %arg5[%add3A_322, %dma_start3A_326] : memref<128x200xi32, #tpu.memory_space<vmem>> -> memref<1x128xi32, #tpu.memory_space<vmem>>
        %dma_start3A_328 = tpu.memref_squeeze %dma_start3A_327 : memref<1x128xi32, #tpu.memory_space<vmem>> -> memref<128xi32, #tpu.memory_space<vmem>>
        %dma_start3A_329 = arith.constant 0 : i32
        %dma_start3A_330 = arith.constant 0 : i32
        %dma_start3A_331 = tpu.memref_slice %arg3[%dma_start3A_329, %dma_start3A_330] : memref<2000000x64xf32, #tpu.memory_space<hbm>> -> memref<2000000x64xf32, #tpu.memory_space<hbm>>
        tpu.enqueue_indirect_dma source(%dma_start3A_331 : memref<2000000x64xf32, #tpu.memory_space<hbm>>) target(%dma_start3A_325 : memref<128x64xf32, #tpu.memory_space<vmem>>) offsets(%dma_start3A_328 : memref<128xi32, #tpu.memory_space<vmem>>) semaphore(%arg10 : memref<!tpu.dma_semaphore, #tpu.memory_space<semaphore_mem>>)
        %dma_start3A_332 = arith.constant 128 : i32
        %dma_start3A_333 = arith.constant 0 : i32
        %dma_start3A_334 = tpu.memref_slice %arg6[%dma_start3A_332, %dma_start3A_333] : memref<200x64xf32, #tpu.memory_space<vmem>> -> memref<72x64xf32, #tpu.memory_space<vmem>>
        %dma_start3A_335 = arith.constant 128 : i32
        %dma_start3A_336 = tpu.memref_slice %arg5[%add3A_322, %dma_start3A_335] : memref<128x200xi32, #tpu.memory_space<vmem>> -> memref<1x72xi32, #tpu.memory_space<vmem>>
        %dma_start3A_337 = tpu.memref_squeeze %dma_start3A_336 : memref<1x72xi32, #tpu.memory_space<vmem>> -> memref<72xi32, #tpu.memory_space<vmem>>
        %dma_start3A_338 = arith.constant 0 : i32
        %dma_start3A_339 = arith.constant 0 : i32
        %dma_start3A_340 = tpu.memref_slice %arg3[%dma_start3A_338, %dma_start3A_339] : memref<2000000x64xf32, #tpu.memory_space<hbm>> -> memref<2000000x64xf32, #tpu.memory_space<hbm>>
        tpu.enqueue_indirect_dma source(%dma_start3A_340 : memref<2000000x64xf32, #tpu.memory_space<hbm>>) target(%dma_start3A_334 : memref<72x64xf32, #tpu.memory_space<vmem>>) offsets(%dma_start3A_337 : memref<72xi32, #tpu.memory_space<vmem>>) semaphore(%arg14 : memref<!tpu.dma_semaphore, #tpu.memory_space<semaphore_mem>>)
      } else {
      }
      %dma_wait3A_286 = arith.constant 0 : i32
      %dma_wait3A_287 = arith.constant 0 : i32
      %dma_wait3A_288 = arith.constant 0 : i32
      %dma_wait3A_289 = tpu.memref_slice %arg9[%dma_wait3A_287, %dma_wait3A_288] : memref<200x64xf32, #tpu.memory_space<vmem>> -> memref<128x64xf32, #tpu.memory_space<vmem>>
      %dma_wait3A_290 = arith.constant 0 : i32
      %dma_wait3A_291 = tpu.memref_slice %arg5[%dma_wait3A_286, %dma_wait3A_290] : memref<128x200xi32, #tpu.memory_space<vmem>> -> memref<1x128xi32, #tpu.memory_space<vmem>>
      %dma_wait3A_292 = tpu.memref_squeeze %dma_wait3A_291 : memref<1x128xi32, #tpu.memory_space<vmem>> -> memref<128xi32, #tpu.memory_space<vmem>>
      %dma_wait3A_293 = arith.constant 0 : i32
      %dma_wait3A_294 = arith.constant 0 : i32
      %dma_wait3A_295 = tpu.memref_slice %arg3[%dma_wait3A_293, %dma_wait3A_294] : memref<2000000x64xf32, #tpu.memory_space<hbm>> -> memref<2000000x64xf32, #tpu.memory_space<hbm>>
      tpu.wait_indirect_dma semaphore(%arg13 : memref<!tpu.dma_semaphore, #tpu.memory_space<semaphore_mem>>) src(%dma_wait3A_295 : memref<2000000x64xf32, #tpu.memory_space<hbm>>) dst(%dma_wait3A_289 : memref<128x64xf32, #tpu.memory_space<vmem>>)
      %dma_wait3A_296 = arith.constant 0 : i32
      %dma_wait3A_297 = arith.constant 128 : i32
      %dma_wait3A_298 = arith.constant 0 : i32
      %dma_wait3A_299 = tpu.memref_slice %arg9[%dma_wait3A_297, %dma_wait3A_298] : memref<200x64xf32, #tpu.memory_space<vmem>> -> memref<72x64xf32, #tpu.memory_space<vmem>>
      %dma_wait3A_300 = arith.constant 128 : i32
      %dma_wait3A_301 = tpu.memref_slice %arg5[%dma_wait3A_296, %dma_wait3A_300] : memref<128x200xi32, #tpu.memory_space<vmem>> -> memref<1x72xi32, #tpu.memory_space<vmem>>
      %dma_wait3A_302 = tpu.memref_squeeze %dma_wait3A_301 : memref<1x72xi32, #tpu.memory_space<vmem>> -> memref<72xi32, #tpu.memory_space<vmem>>
      %dma_wait3A_303 = arith.constant 0 : i32
      %dma_wait3A_304 = arith.constant 0 : i32
      %dma_wait3A_305 = tpu.memref_slice %arg3[%dma_wait3A_303, %dma_wait3A_304] : memref<2000000x64xf32, #tpu.memory_space<hbm>> -> memref<2000000x64xf32, #tpu.memory_space<hbm>>
      tpu.wait_indirect_dma semaphore(%arg17 : memref<!tpu.dma_semaphore, #tpu.memory_space<semaphore_mem>>) src(%dma_wait3A_305 : memref<2000000x64xf32, #tpu.memory_space<hbm>>) dst(%dma_wait3A_299 : memref<72x64xf32, #tpu.memory_space<vmem>>)
      %rem3A_306 = arith.constant 16 : i32
      %rem3A_307 = arith.remsi %add3A, %rem3A_306 : i32
      %mul3A_308 = arith.constant 128 : i32
      %mul3A_309 = arith.muli %rem3A_307, %mul3A_308 : i32
      %add3A_310 = arith.addi %mul3A_309, %add3A_265 : i32
      %div3A_311 = arith.constant 16 : i32
      %div3A_312 = arith.divsi %add3A, %div3A_311 : i32
      %mul3A_313 = arith.constant 64 : i32
      %mul3A_314 = arith.muli %div3A_312, %mul3A_313 : i32
      %dma_start3A_315 = arith.constant 0 : i32
      %dma_start3A_316 = tpu.memref_slice %arg4[%dma_start3A_315, %add3A_310, %mul3A_314] : memref<200x2048x128xf32, #tpu.memory_space<hbm>> -> memref<200x1x64xf32, #tpu.memory_space<hbm>>
      %dma_start3A_317 = tpu.memref_squeeze %dma_start3A_316 : memref<200x1x64xf32, #tpu.memory_space<hbm>> -> memref<200x64xf32, #tpu.memory_space<hbm>>
      %dma_start3A_318 = arith.constant 0 : i32
      %dma_start3A_319 = tpu.memref_slice %arg4[%dma_start3A_318, %add3A_310, %mul3A_314] : memref<200x2048x128xf32, #tpu.memory_space<hbm>> -> memref<200x1x64xf32, #tpu.memory_space<hbm>>
      %dma_start3A_320 = tpu.memref_squeeze %dma_start3A_319 : memref<200x1x64xf32, #tpu.memory_space<hbm>> -> memref<200x64xf32, #tpu.memory_space<hbm>>
      tpu.enqueue_dma source(%arg9 : memref<200x64xf32, #tpu.memory_space<vmem>>) target(%dma_start3A_320 : memref<200x64xf32, #tpu.memory_space<hbm>>) target_semaphore(%arg21 : memref<!tpu.dma_semaphore, #tpu.memory_space<semaphore_mem>>)
    }
    %scan3A_26 = arith.constant 32 : i32
    %rem3A = arith.constant 16 : i32
    %rem3A_27 = arith.remsi %add3A, %rem3A : i32
    %mul3A_28 = arith.constant 128 : i32
    %mul3A_29 = arith.muli %rem3A_27, %mul3A_28 : i32
    %add3A_30 = arith.constant 0 : i32
    %add3A_31 = arith.addi %mul3A_29, %add3A_30 : i32
    %div3A = arith.constant 16 : i32
    %div3A_32 = arith.divsi %add3A, %div3A : i32
    %mul3A_33 = arith.constant 64 : i32
    %mul3A_34 = arith.muli %div3A_32, %mul3A_33 : i32
    %dma_wait3A = arith.constant 0 : i32
    %dma_wait3A_35 = tpu.memref_slice %arg4[%dma_wait3A, %add3A_31, %mul3A_34] : memref<200x2048x128xf32, #tpu.memory_space<hbm>> -> memref<200x1x64xf32, #tpu.memory_space<hbm>>
    %dma_wait3A_36 = tpu.memref_squeeze %dma_wait3A_35 : memref<200x1x64xf32, #tpu.memory_space<hbm>> -> memref<200x64xf32, #tpu.memory_space<hbm>>
    %dma_wait3A_37 = arith.constant 0 : i32
    %dma_wait3A_38 = tpu.memref_slice %arg4[%dma_wait3A_37, %add3A_31, %mul3A_34] : memref<200x2048x128xf32, #tpu.memory_space<hbm>> -> memref<200x1x64xf32, #tpu.memory_space<hbm>>
    %dma_wait3A_39 = tpu.memref_squeeze %dma_wait3A_38 : memref<200x1x64xf32, #tpu.memory_space<hbm>> -> memref<200x64xf32, #tpu.memory_space<hbm>>
    tpu.wait_dma2 semaphore(%arg19 : memref<!tpu.dma_semaphore, #tpu.memory_space<semaphore_mem>>) src(%arg7 : memref<200x64xf32, #tpu.memory_space<vmem>>) dst(%dma_wait3A_39 : memref<200x64xf32, #tpu.memory_space<hbm>>)
    %rem3A_40 = arith.constant 16 : i32
    %rem3A_41 = arith.remsi %add3A, %rem3A_40 : i32
    %mul3A_42 = arith.constant 128 : i32
    %mul3A_43 = arith.muli %rem3A_41, %mul3A_42 : i32
    %add3A_44 = arith.constant 0 : i32
    %add3A_45 = arith.addi %mul3A_43, %add3A_44 : i32
    %div3A_46 = arith.constant 16 : i32
    %div3A_47 = arith.divsi %add3A, %div3A_46 : i32
    %mul3A_48 = arith.constant 64 : i32
    %mul3A_49 = arith.muli %div3A_47, %mul3A_48 : i32
    %dma_wait3A_50 = arith.constant 0 : i32
    %dma_wait3A_51 = tpu.memref_slice %arg4[%dma_wait3A_50, %add3A_45, %mul3A_49] : memref<200x2048x128xf32, #tpu.memory_space<hbm>> -> memref<200x1x64xf32, #tpu.memory_space<hbm>>
    %dma_wait3A_52 = tpu.memref_squeeze %dma_wait3A_51 : memref<200x1x64xf32, #tpu.memory_space<hbm>> -> memref<200x64xf32, #tpu.memory_space<hbm>>
    %dma_wait3A_53 = arith.constant 0 : i32
    %dma_wait3A_54 = tpu.memref_slice %arg4[%dma_wait3A_53, %add3A_45, %mul3A_49] : memref<200x2048x128xf32, #tpu.memory_space<hbm>> -> memref<200x1x64xf32, #tpu.memory_space<hbm>>
    %dma_wait3A_55 = tpu.memref_squeeze %dma_wait3A_54 : memref<200x1x64xf32, #tpu.memory_space<hbm>> -> memref<200x64xf32, #tpu.memory_space<hbm>>
    tpu.wait_dma2 semaphore(%arg20 : memref<!tpu.dma_semaphore, #tpu.memory_space<semaphore_mem>>) src(%arg8 : memref<200x64xf32, #tpu.memory_space<vmem>>) dst(%dma_wait3A_55 : memref<200x64xf32, #tpu.memory_space<hbm>>)
    %rem3A_56 = arith.constant 16 : i32
    %rem3A_57 = arith.remsi %add3A, %rem3A_56 : i32
    %mul3A_58 = arith.constant 128 : i32
    %mul3A_59 = arith.muli %rem3A_57, %mul3A_58 : i32
    %add3A_60 = arith.constant 0 : i32
    %add3A_61 = arith.addi %mul3A_59, %add3A_60 : i32
    %div3A_62 = arith.constant 16 : i32
    %div3A_63 = arith.divsi %add3A, %div3A_62 : i32
    %mul3A_64 = arith.constant 64 : i32
    %mul3A_65 = arith.muli %div3A_63, %mul3A_64 : i32
    %dma_wait3A_66 = arith.constant 0 : i32
    %dma_wait3A_67 = tpu.memref_slice %arg4[%dma_wait3A_66, %add3A_61, %mul3A_65] : memref<200x2048x128xf32, #tpu.memory_space<hbm>> -> memref<200x1x64xf32, #tpu.memory_space<hbm>>
    %dma_wait3A_68 = tpu.memref_squeeze %dma_wait3A_67 : memref<200x1x64xf32, #tpu.memory_space<hbm>> -> memref<200x64xf32, #tpu.memory_space<hbm>>
    %dma_wait3A_69 = arith.constant 0 : i32
    %dma_wait3A_70 = tpu.memref_slice %arg4[%dma_wait3A_69, %add3A_61, %mul3A_65] : memref<200x2048x128xf32, #tpu.memory_space<hbm>> -> memref<200x1x64xf32, #tpu.memory_space<hbm>>
    %dma_wait3A_71 = tpu.memref_squeeze %dma_wait3A_70 : memref<200x1x64xf32, #tpu.memory_space<hbm>> -> memref<200x64xf32, #tpu.memory_space<hbm>>
    tpu.wait_dma2 semaphore(%arg21 : memref<!tpu.dma_semaphore, #tpu.memory_space<semaphore_mem>>) src(%arg9 : memref<200x64xf32, #tpu.memory_space<vmem>>) dst(%dma_wait3A_71 : memref<200x64xf32, #tpu.memory_space<hbm>>)
    return
  }
}

module attributes {stable_mosaic.version = 14 : i64} {
  func.func @_finish_kernel(%arg0: i32, %arg1: i32, %arg2: i32, %arg3: memref<40x256x128xf32, #tpu.memory_space<vmem>>, %arg4: memref<40x64xf32, #tpu.memory_space<vmem>>, %arg5: memref<64x128xf32, #tpu.memory_space<vmem>>, %arg6: memref<2560x256xf32, #tpu.memory_space<vmem>>) attributes {dimension_semantics = [#tpu.dimension_semantics<parallel>, #tpu.dimension_semantics<parallel>, #tpu.dimension_semantics<arbitrary>], iteration_bounds = array<i64: 5, 8, 2>, scalar_prefetch = 0 : i64, scratch_operands = 0 : i64, tpu.core_type = #tpu.core_type<tc>, window_params = [{transform_indices = @transform_0, window_bounds = array<i64: 40, 256, 128>}, {transform_indices = @transform_1, window_bounds = array<i64: 40, 64>}, {transform_indices = @transform_2, window_bounds = array<i64: 64, 128>}, {transform_indices = @transform_3, window_bounds = array<i64: 2560, 256>}]} {
    %get3A = arith.constant 0 : index
    %get3A_0 = arith.constant 0 : index
    %get3A_1 = arith.constant 0 : index
    %get3A_2 = vector.load %arg3[%get3A, %get3A_0, %get3A_1] : memref<40x256x128xf32, #tpu.memory_space<vmem>>, vector<40x256x128xf32>
    %get3A_3 = arith.constant 0 : index
    %get3A_4 = arith.constant 0 : index
    %get3A_5 = vector.load %arg4[%get3A_3, %get3A_4] : memref<40x64xf32, #tpu.memory_space<vmem>>, vector<40x64xf32>
    %get3A_6 = arith.constant 0 : index
    %get3A_7 = arith.constant 0 : index
    %get3A_8 = vector.load %arg5[%get3A_6, %get3A_7] : memref<64x128xf32, #tpu.memory_space<vmem>>, vector<64x128xf32>
    %dot_general3A = arith.constant dense<0.000000e+00> : vector<64x40x256xf32>
    %dot_general3A_9 = tpu.matmul %get3A_8, %get3A_2, %dot_general3A {dimension_numbers = #tpu.dot_dimension_numbers<[1], [2], [0], [0, 1], [0, 0, 1, 0, 1, 1], [], []>, transpose_lhs_hint = false} : vector<64x128xf32>, vector<40x256x128xf32>, vector<64x40x256xf32> -> vector<64x40x256xf32>
    %transpose3A = tpu.transpose %dot_general3A_9, [1, 0, 2] : vector<64x40x256xf32> -> vector<40x64x256xf32>
    %mul3A = arith.constant 1.250000e-01 : f32
    %mul3A_10 = vector.broadcast %mul3A : f32 to vector<40x64x256xf32>
    %mul3A_11 = arith.mulf %transpose3A, %mul3A_10 : vector<40x64x256xf32>
    %broadcast_in_dim3A = vector.shape_cast %get3A_5 : vector<40x64xf32> to vector<40x64x1xf32>
    %add3A = vector.broadcast %broadcast_in_dim3A : vector<40x64x1xf32> to vector<40x64x256xf32>
    %add3A_12 = arith.addf %mul3A_11, %add3A : vector<40x64x256xf32>
    %reshape3A = vector.shape_cast %add3A_12 : vector<40x64x256xf32> to vector<2560x256xf32>
    %swap3A = arith.constant 0 : index
    %swap3A_13 = arith.constant 0 : index
    %swap3A_14 = vector.load %arg6[%swap3A, %swap3A_13] : memref<2560x256xf32, #tpu.memory_space<vmem>>, vector<2560x256xf32>
    tpu.vector_store %arg6[%swap3A, %swap3A_13], %reshape3A {strides = array<i32>} : memref<2560x256xf32, #tpu.memory_space<vmem>>, vector<2560x256xf32>,
    return
  }
  func.func @transform_0(%arg0: i32, %arg1: i32, %arg2: i32) -> (i32, i32, i32) {
    %c0_i32 = arith.constant 0 : i32
    %c0_i32_0 = arith.constant 0 : i32
    return %arg0, %arg1, %c0_i32 : i32, i32, i32
  }
  func.func @transform_1(%arg0: i32, %arg1: i32, %arg2: i32) -> (i32, i32) {
    %c0_i32 = arith.constant 0 : i32
    %c0_i32_0 = arith.constant 0 : i32
    return %arg0, %c0_i32 : i32, i32
  }
  func.func @transform_2(%arg0: i32, %arg1: i32, %arg2: i32) -> (i32, i32) {
    %c0_i32 = arith.constant 0 : i32
    %c0_i32_0 = arith.constant 0 : i32
    return %arg2, %c0_i32 : i32, i32
  }
  func.func @transform_3(%arg0: i32, %arg1: i32, %arg2: i32) -> (i32, i32) {
    %mul3A = arith.constant 8 : i32
    %mul3A_0 = arith.muli %arg2, %mul3A : i32
    %add3A = arith.addi %mul3A_0, %arg1 : i32
    %c0_i32 = arith.constant 0 : i32
    return %arg0, %add3A : i32, i32
  }
}

</mosaic_0001>

<sc_bundles>
// kernel: kernel.4.cloned.1.call-start
scs
__scs_entry_jumppad:
0x0: {  	(pc) =	sbr.rel $0x88, $3  }
0x1: {  	(tag) =	ssettag $0x0;
	lr =	simm.s32 $0x1  }
0x2: {  	[smem:$0x3F9E] =	sst lr;
	_ =	strace $0xD0000000  }
0x3: {  	_ = 	snop  }
0x4: {  	_ = 	snop  }
0x5: {  	_ = 	snop  }
0x6: {  	_ = 	snop  }
0x7: {  	_ = 	snop  }
__scs_overlays_trampoline_lowered:
0x8: {  	[smem:$0x3FAD] =	sst s0  }
0x9: {  	[smem:$0x3FAE] =	sst s1  }
0xa: {  	[smem:$0x3FAF] =	sst s2  }
0xb: {  	[smem:$0x3FB0] =	sst s3  }
0xc: {  	[smem:$0x3FB1] =	sst s4  }
0xd: {  	[smem:$0x3FB2] =	sst s5  }
0xe: {  	[smem:$0x3FB3] =	sst s6  }
0xf: {  	[smem:$0x3FB4] =	sst s7  }
0x10: {  	[smem:$0x3FB5] =	sst s8  }
0x11: {  	[smem:$0x3FB6] =	sst s9;
	s0 =	simm.s32 @!p0 $0x0  }
0x12: {  	s1 =	sld [smem:$0x3F9C];
	s0 =	simm.s32 @p0 $0x1  }
0x13: {  	[smem:$0x3FB7] =	sst s0;
	s0 =	simm.s32 @!p1 $0x0  }
0x14: {  	s2 =	sld [smem:$0x3F9B];
	s0 =	simm.s32 @p1 $0x1  }
0x15: {  	[smem:$0x3FB8] =	sst s0;
	s0 =	simm.s32 @!p2 $0x0  }
0x16: {  	s3 =	sld [smem:$0x3FDB];
	s0 =	simm.s32 @p2 $0x1  }
0x17: {  	s4 =	simm.s32 $0x1BF5;
	[smem:$0x3FBA] =	sst s0  }
0x18: {  	s0 =	sld [smem:$0x3F9D];
	_ =	swait.ge [sflag:s4], $0x0  }
0x19: {  	s7 =	sld [smem:$0x3F9E]  }
0x1a: {  	s8 =	sadd.s32 $0xFFFFE003, lr  }
0x1b: {  	s9 =	sadd.s32 $0xFFFFFEF7, lr;
	s5 =	simm.s32 $0xFFFFFFFF;
	p2 =	slt.u32 s8, $0xFFFFF086  }
0x1c: {  	p1 =	slt.u32 s9, $0xF7A;
	s5 =	simm.s32 @!p2 $0x0  }
0x1d: {  	s5 =	simm.s32 @p1 $0x1;
	p0 =	seq.s32 s7, s2  }
0x1e: {  	s7 =	smul.u32 @!p0 $0xF7A, s2;
	p2 =	seq.s32 @!p0 s5, $0x0  }
0x1f: {  	s9 =	smul.u32 $0xF7A, s1;
	s8 =	simm.s32 @!p0 $0x1BF5;
	p2 =	por !p2, p0  }
0x20: {  	[sflag:s8] =	ssyncset.s32 @!p0 $0xFFFFF086;
	s6 =	sadd.s32 @!p0 s3, s7;
	s7 =	simm.s32 @!p0 $0x108  }
0x21: {  	s3 =	sadd.s32 s3, s9;
	s6 =	sadd.s32 @!p0 $0x88, s6;
	s7 =	simm.s32 @p2 $0x1082  }
0x22: {  	[simem:s7], [sflag:s8] =	dma.local @!p0 [hbm:s6], $0xF7A  }
0x23: {  	s9 =	sor.u32 $0xD0000000, s2;
	s6 =	simm.s32 $0x108;
	_ =	swait.ge @!p0 [sflag:s8], $0x0  }
0x24: {  	s3 =	sadd.s32 $0x88, s3;
	s6 =	simm.s32 @!p1 $0x1082;
	[sflag:s4] =	ssyncset.s32 $0xFFFFF086  }
0x25: {  	[simem:s6], [sflag:s4] =	dma.local [hbm:s3], $0xF7A  }
0x26: {  	[smem:$0x3F9E] =	sst s1;
	(tag) =	ssettag s2;
	_ =	strace s9  }
0x27: {  	s1 =	sld [smem:$0x3FAE]  }
0x28: {  	s2 =	sld [smem:$0x3FAF]  }
0x29: {  	s4 =	sld [smem:$0x3FB1]  }
0x2a: {  	p0 =	seq.s32 s5, $0x0;
	s5 =	sld [smem:$0x3FB2]  }
0x2b: {  	s6 =	sld [smem:$0x3FB3]  }
0x2c: {  	s7 =	sld [smem:$0x3FB4]  }
0x2d: {  	s3 =	simm.s32 $0x108;
	s8 =	sld [smem:$0x3FB5]  }
0x2e: {  	s3 =	simm.s32 @!p0 $0x1082;
	s9 =	sld [smem:$0x3FB6]  }
0x2f: {  	lr =	sadd.s32 s0, s3;
	s0 =	sld [smem:$0x3FAD]  }
0x30: {  	s3 =	sld [smem:$0x3FB0]  }
0x31: {  	[smem:$0x3FB9] =	sst s10  }
0x32: {  	s10 =	sld [smem:$0x3FB7];
	_ =	sdelay $0x3  }
0x33: {  	p0 =	seq.s32 s10, $0x1;
	s10 =	sld [smem:$0x3FB9];
	_ =	sdelay $0x3  }
0x34: {  	[smem:$0x3FB9] =	sst s10  }
0x35: {  	s10 =	sld [smem:$0x3FB8];
	_ =	sdelay $0x3  }
0x36: {  	p1 =	seq.s32 s10, $0x1;
	s10 =	sld [smem:$0x3FB9];
	_ =	sdelay $0x3  }
0x37: {  	[smem:$0x3FB9] =	sst s10  }
0x38: {  	s10 =	sld [smem:$0x3FBA]  }
0x39: {  	_ = 	snop;
	(pc) =	sbr.ind lr, $3  }
0x3a: {  	_ = 	snop  }
0x3b: {  	_ = 	snop  }
0x3c: {  	p2 =	seq.s32 s10, $0x1;
	s10 =	sld [smem:$0x3FB9]  }
0x3d: {  	_ =	shalt  }
0x3e: {  	_ =	shalt  }
0x3f: {  	_ =	shalt  }
0x40: {  	_ =	shalt  }
0x41: {  	_ =	shalt  }
0x42: {  	_ =	shalt  }
0x43: {  	_ =	shalt  }
0x44: {  	_ =	shalt  }
0x45: {  	_ =	shalt  }
0x46: {  	_ =	shalt  }
0x47: {  	_ =	shalt  }
0x48: {  	_ =	shalt  }
0x49: {  	_ =	shalt  }
0x4a: {  	_ =	shalt  }
0x4b: {  	_ =	shalt  }
0x4c: {  	_ =	shalt  }
0x4d: {  	_ =	shalt  }
0x4e: {  	_ =	shalt  }
0x4f: {  	_ =	shalt  }
0x50: {  	_ =	shalt  }
0x51: {  	_ =	shalt  }
0x52: {  	_ =	shalt  }
0x53: {  	_ =	shalt  }
0x54: {  	_ =	shalt  }
0x55: {  	_ =	shalt  }
0x56: {  	_ =	shalt  }
0x57: {  	_ =	shalt  }
0x58: {  	_ =	shalt  }
0x59: {  	_ =	shalt  }
0x5a: {  	_ =	shalt  }
0x5b: {  	_ =	shalt  }
0x5c: {  	_ =	shalt  }
0x5d: {  	_ =	shalt  }
0x5e: {  	_ =	shalt  }
0x5f: {  	_ =	shalt  }
0x60: {  	_ =	shalt  }
0x61: {  	_ =	shalt  }
0x62: {  	_ =	shalt  }
0x63: {  	_ =	shalt  }
0x64: {  	_ =	shalt  }
0x65: {  	_ =	shalt  }
0x66: {  	_ =	shalt  }
0x67: {  	_ =	shalt  }
0x68: {  	_ =	shalt  }
0x69: {  	_ =	shalt  }
0x6a: {  	_ =	shalt  }
0x6b: {  	_ =	shalt  }
0x6c: {  	_ =	shalt  }
0x6d: {  	_ =	shalt  }
0x6e: {  	_ =	shalt  }
0x6f: {  	_ =	shalt  }
0x70: {  	_ =	shalt  }
0x71: {  	_ =	shalt  }
0x72: {  	_ =	shalt  }
0x73: {  	_ =	shalt  }
0x74: {  	_ =	shalt  }
0x75: {  	_ =	shalt  }
0x76: {  	_ =	shalt  }
0x77: {  	_ =	shalt  }
0x78: {  	_ =	shalt  }
0x79: {  	_ =	shalt  }
0x7a: {  	_ =	shalt  }
0x7b: {  	_ =	shalt  }
0x7c: {  	_ =	shalt  }
0x7d: {  	_ =	shalt  }
0x7e: {  	_ =	shalt  }
0x7f: {  	_ =	shalt  }
0x80: {  	_ =	shalt  }
0x81: {  	_ =	shalt  }
0x82: {  	_ =	shalt  }
0x83: {  	_ =	shalt  }
0x84: {  	_ =	shalt  }
0x85: {  	_ =	shalt  }
0x86: {  	_ =	shalt  }
0x87: {  	_ =	shalt  }
.Lfunc_end0:
.L_simem_size_0:
called_computation.1_lowered:
.L_overlay_start_0:
0x88: {  	s2 =	sld [smem:$0x3FD9]  }
0x89: {  	s3 =	sld [smem:$0x3FFE];
	_ =	sdelay $0x1  }
0x8a: {  	s1 =	srdreg.scid  }
0x8b: {  	s0 =	sand.u32 $0x1, s1  }
0x8c: {  	s17 =	sshll.u32 s0, $0xA;
	s2 =	sadd.s32 s3, s2  }
0x8d: {  	s2 =	sadd.s32 s2, s17  }
0x8e: {  	[smem:$0x3FC5] =	sst s2  }
0x8f: {  	_ = 	snop  }
0x90: {  	s2 =	sld [smem:$0x3FD0];
	(tm) =	ssettm $0x1  }
0x91: {  	s18 =	sld [smem:$0x3FFB];
	_ =	sdelay $0x3  }
0x92: {  	_ =	strace s18  }
0x93: {  	s3 =	sld [smem:$0x3FFC];
	_ =	sdelay $0x3  }
0x94: {  	_ =	strace s3  }
0x95: {  	s3 =	sld [smem:$0x3FFD];
	_ =	sdelay $0x3  }
0x96: {  	_ =	strace s3  }
0x97: {  	_ =	strace $0x8FFFFFFF  }
0x98: {  	s19 =	sld [smem:$0x3FDB];
	_ =	sdelay $0x1  }
0x99: {  	s4 =	simm.s32 $_scs_section_size  }
0x9a: {  	s5 =	simm.s32 $_size__tile_overlayer_lowered;
	s6 =	simm.s32 $_tile_overlayer_lowered  }
0x9b: {  	s22 =	simm.s32 $0x1BFF;
	s21 =	sshll.u32 s6, $0x1;
	s3 =	sadd.s32 s4, s19  }
0x9c: {  	s7 =	simm.s32 $0x0;
	s20 =	sshll.u32 s5, $0x1;
	s5 =	sadd.s32 s21, s3  }
0x9d: {  	[timem:s7], [sflag:s22] =	dma.local [hbm:s5], s20  }
0x9e: {  	_ =	swait.ge [sflag:s22], s20  }
0x9f: {  	s4 =	ssub.s32 $0x0, s20;
	[sflag:s22] =	ssyncset.done $0x0  }
0xa0: {  	[sflag:s22] =	ssyncadd.s32 s4;
	_ =	sdelay $0x1  }
0xa1: {  	s23 =	simm.s32 $0x1B8B  }
0xa2: {  	_ =	swait.ge [sflag:s23], $0x1  }
0xa3: {  	[sflag:s23] =	ssyncset.done $0x0  }
0xa4: {  	s25 =	simm.s32 $0x1B8E;
	s24 =	sld [smem:$0x3FFE];
	[sflag:s23] =	ssyncadd.s32 $0xFFFFFFFF  }
0xa5: {  	s26 =	simm.s32 $execute0_lowered;
	[smem:$0x3FD2] =	sst s25  }
0xa6: {  	s5 =	sshll.u32 s26, $0x1;
	_ =	strace $0x80000049;
	[dreg:$0x1] =	wrdreg $0xFFFFFFFF  }
0xa7: {  	s28 =	simm.s32 $_size_execute0_lowered;
	s3 =	sadd.s32 s3, s5;
	[dreg:$0x0] =	wrdreg $0x0  }
0xa8: {  	s5 =	sshll.u32 s28, $0x1;
	[dreg:$0x2] =	wrdreg s3  }
0xa9: {  	[dreg:$0x3] =	wrdreg s5  }
0xaa: {  	[dreg:$0x4] =	wrdreg $0xC0  }
0xab: {  	_ =	task [dreg:s7], $0x5FFFF  }
0xac: {  	[dreg:$0x1] =	wrdreg $0xFFFFFFFF  }
0xad: {  	[dreg:$0x0] =	wrdreg $0x60  }
0xae: {  	[dreg:$0x2] =	wrdreg s2  }
0xaf: {  	[dreg:$0x3] =	wrdreg s24  }
0xb0: {  	[dreg:$0x4] =	wrdreg $0x9  }
0xb1: {  	_ =	task.clear_ibuf [dreg:s7], $0x5FFFF;
	_ =	strace $0x90000049  }
0xb2: {  	s29 =	simm.s32 $0x9;
	_ =	strace $0x8000004B  }
0xb3: {  	_ =	swait.ge [sflag:s29], $0x1  }
0xb4: {  	[sflag:s29] =	ssyncadd.s32 $0xFFFFFFFF  }
0xb5: {  	_ =	strace $0x9000004B  }
0xb6: {  	_ =	sfence  }
0xb7: {  	s30 =	sld [smem:$0x0];
	_ =	sdelay $0x2  }
0xb8: {  	s31 =	sshll.u32 s1, $0xD;
	s1 =	sshrl.u32 s1, $0x2  }
0xb9: {  	s3 =	sand.u32 $0x4000, s31;
	s1 =	sadd.s32 s1, s30  }
0xba: {  	s0 =	sor.u32 s3, s0;
	s1 =	sshll.u32 s1, $0x11  }
0xbb: {  	s0 =	sor.u32 s1, s0  }
0xbc: {  	s0 =	sadd.s32 $0x8F2B, s0  }
0xbd: {  	[sflag:s0] =	ssyncadd.remote.s32 $0x1  }
0xbe: {  	_ =	sfence.sel $0xFFFF  }
0xbf: {  	[dreg:$0x0] =	wrdreg $0xFFFFFFFF;
	(pc) =	sbr.abs _section_cstart, $3  }
0xc0: {  	[dreg:$0x1] =	wrdreg $0xFFFFFFFF  }
0xc1: {  	_ =	task.clear_ibuf [dreg:s7], $0x2FFFF;
	_ =	strace $0x9FFFFFFF  }
0xc2: {  	(tm) =	ssettm $0x7FFFFFFF  }
0xc3: {  	_ =	shalt  }
tec
execute0_lowered:
.L_overlay_start_1:
0x0: {  	(tag) =	ssettag $0x1  }
0x1: {  	s0 =	rddreg [dreg:$0x0]  }
0x2: {  	s1 =	rddreg [dreg:$0x1];
	s2 =	simm.s32 $0x0;
	s15 =	srdreg.scid  }
0x3: {  	s8 =	stileid.u32;
	s11 =	simm.s32 $0x80;
	s12 =	simm.s32 $0x6400  }
0x4: {  	s13 =	simm.s32 $0x48;
	s25 =	simm.s32 $0xB600;
	s26 =	simm.s32 $0xE800  }
0x5: {  	s30 =	simm.s32 $0x11A00;
	s28 =	simm.s32 $0x4;
	s29 =	simm.s32 $0x8  }
0x6: {  	[smem:$0x7FF] =	sst s2;
	s2 =	sand.u32 $0x1, s15;
	s3 =	sadd.s32 $0xF43200, s1  }
0x7: {  	s5 =	sshll.u32 s8, $0x1;
	s6 =	sshll.u32 s8, $0xF;
	s16 =	sshll.u32 s8, $0x3  }
0x8: {  	s1 =	sadd.s32 $0xE00, s1;
	_ =	strace $0x8000004A;
	[dreg:$0x3] =	wrdreg s25  }
0x9: {  	s15 =	simm.s32 $0x9600;
	s4 =	ssub.s32 $0x2, s2;
	[dreg:$0x4] =	wrdreg s26  }
0xa: {  	s7 =	sshll.u32 s2, $0xE;
	s2 =	sor.u32 s2, s5;
	[dreg:$0x5] =	wrdreg s30  }
0xb: {  	s25 =	simm.s32 $0x7;
	s6 =	sor.u32 s7, s6;
	s2 =	smul.u32 $0xC80, s2  }
0xc: {  	s26 =	simm.s32 $0x9;
	s17 =	sshrl.u32 s4, $0x1;
	s5 =	sor.u32 s16, s6  }
0xd: {  	s4 =	ssub.s32 s4, s17;
	s16 =	simm.s32 $0x1;
	s0 =	sadd.s32 s0, s2  }
0xe: {  	s5 =	sand.u32 $0x3C040, s5;
	s18 =	smax.u32 s4, $0x1;
	[dreg:$0x6] =	wrdreg s0  }
0xf: {  	s17 =	simm.s32 $0x5;
	[dreg:$0x7] =	wrdreg s18;
	s19 =	sshrl.u32 s5, $0x3  }
0x10: {  	s20 =	sor.u32 $0x180, s5;
	s21 =	sor.u32 $0x100, s5;
	s22 =	sor.u32 $0x80, s5  }
0x11: {  	s18 =	simm.s32 $0x40;
	s0 =	sadd.s32 s19, s1;
	s2 =	sshrl.u32 s21, $0x3  }
0x12: {  	s24 =	sshrl.u32 s22, $0x3;
	s19 =	simm.s32 $0x40000;
	s21 =	simm.s32 $0x2  }
0x13: {  	s22 =	simm.s32 $0x6;
	[dreg:$0x8] =	wrdreg s0;
	s0 =	sshrl.u32 s20, $0x3  }
0x14: {  	s23 =	sadd.s32 s2, s1;
	s20 =	simm.s32 $0xC800;
	s2 =	simm.s32 $0x0  }
0x15: {  	s31 =	sadd.s32 s0, s1;
	[dreg:$0x9] =	wrdreg s23;
	s0 =	sadd.s32 s24, s1  }
0x16: {  	s23 =	simm.s32 $0xFA00;
	s24 =	simm.s32 $0x3;
	[dreg:$0xa] =	wrdreg s0  }
.LBB2_1:
0x17: {  	s0 =	simm.s32 $0x0;
	s1 =	rddreg [dreg:$0x6];
	s8 =	simm.s32 $0xD  }
0x18: {  	[tilespmem:s0], [sflag:$0xD] =	stream.linear.gather [hbm4b:s1+s0], $0x6400, $0x38;
	[tilespmem:$0x12C00] =	vst v63  }
0x19: {  	_ =	swait.ge [sflag:s8], $0x6400  }
0x1a: {  	[sflag:s8] =	ssyncset.done $0x0  }
0x1b: {  	p0 =	por $0x1, $0x1;
	[sflag:s8] =	ssyncadd.s32 $0xFFFF9C00  }
0x1c: {  	[tilespmem:s12], [sflag:$0x1] =	stream.indirect.gather [hbm4b:s3+s11], $0x40, s0, s11, $0xb8;
	[tilespmem:$0x12C00] =	vst v63  }
0x1d: {  	s9 =	simm.s32 $0x8400;
	s0 =	simm.s32 @!p0 $0xA  }
0x1e: {  	[tilespmem:s9], [sflag:$0x5] =	stream.indirect.gather [hbm4b:s3+s13], $0x40, s11, s13, $0xb8;
	[tilespmem:$0x12C00] =	vst v63  }
0x1f: {  	_ =	swait.ge @!p0 [sflag:s0], $0x3200  }
0x20: {  	[sflag:s0] =	ssyncset.done @!p0 $0x0  }
0x21: {  	s10 =	simm.s32 $0xC8;
	[sflag:s0] =	ssyncadd.s32 @!p0 $0xFFFFCE00  }
0x22: {  	[tilespmem:s15], [sflag:$0x2] =	stream.indirect.gather [hbm4b:s3+s11], $0x40, s10, s11, $0xb8;
	[tilespmem:$0x12C00] =	vst v63  }
0x23: {  	s4 =	simm.s32 $0x148;
	s14 =	rddreg [dreg:$0x3]  }
0x24: {  	[tilespmem:s14], [sflag:$0x6] =	stream.indirect.gather [hbm4b:s3+s13], $0x40, s4, s13, $0xb8;
	[tilespmem:$0x12C00] =	vst v63  }
0x25: {  	_ =	swait.ge [sflag:s16], $0x2000  }
0x26: {  	[sflag:s16] =	ssyncset.done $0x0  }
0x27: {  	[sflag:s16] =	ssyncadd.s32 $0xFFFFE000  }
0x28: {  	_ =	swait.ge [sflag:s17], $0x1200  }
0x29: {  	[sflag:s17] =	ssyncset.done $0x0  }
0x2a: {  	s0 =	simm.s32 @!p0 $0xB;
	s6 =	rddreg [dreg:$0x8];
	[sflag:s17] =	ssyncadd.s32 $0xFFFFEE00  }
0x2b: {  	[hbm4b:s6+s18] =	stream.strided.scatter [tilespmem:s12], [sflag:$0x9], $0x3200, s19, s18, $0x38;
	[tilespmem:$0x12C00] =	vst v63  }
0x2c: {  	_ =	swait.ge @!p0 [sflag:s0], $0x3200  }
0x2d: {  	[sflag:s0] =	ssyncset.done @!p0 $0x0  }
0x2e: {  	s5 =	simm.s32 $0x190;
	[sflag:s0] =	ssyncadd.s32 @!p0 $0xFFFFCE00  }
0x2f: {  	[tilespmem:s20], [sflag:$0x3] =	stream.indirect.gather [hbm4b:s3+s11], $0x40, s5, s11, $0xb8;
	[tilespmem:$0x12C00] =	vst v63  }
0x30: {  	s8 =	simm.s32 $0x210;
	s7 =	rddreg [dreg:$0x4]  }
0x31: {  	[tilespmem:s7], [sflag:$0x7] =	stream.indirect.gather [hbm4b:s3+s13], $0x40, s8, s13, $0xb8;
	[tilespmem:$0x12C00] =	vst v63  }
0x32: {  	_ =	swait.ge [sflag:s21], $0x2000  }
0x33: {  	[sflag:s21] =	ssyncset.done $0x0  }
0x34: {  	[sflag:s21] =	ssyncadd.s32 $0xFFFFE000  }
0x35: {  	_ =	swait.ge [sflag:s22], $0x1200  }
0x36: {  	[sflag:s22] =	ssyncset.done $0x0  }
0x37: {  	s0 =	simm.s32 @!p0 $0xC;
	s5 =	rddreg [dreg:$0xa];
	[sflag:s22] =	ssyncadd.s32 $0xFFFFEE00  }
0x38: {  	[hbm4b:s5+s18] =	stream.strided.scatter [tilespmem:s15], [sflag:$0xA], $0x3200, s19, s18, $0x38;
	[tilespmem:$0x12C00] =	vst v63  }
0x39: {  	_ =	swait.ge @!p0 [sflag:s0], $0x3200  }
0x3a: {  	[sflag:s0] =	ssyncset.done @!p0 $0x0  }
0x3b: {  	s9 =	simm.s32 $0x258;
	[sflag:s0] =	ssyncadd.s32 @!p0 $0xFFFFCE00  }
0x3c: {  	[tilespmem:s23], [sflag:$0x4] =	stream.indirect.gather [hbm4b:s3+s11], $0x40, s9, s11, $0xb8;
	[tilespmem:$0x12C00] =	vst v63  }
0x3d: {  	s14 =	simm.s32 $0x2D8;
	s10 =	rddreg [dreg:$0x5]  }
0x3e: {  	[tilespmem:s10], [sflag:$0x8] =	stream.indirect.gather [hbm4b:s3+s13], $0x40, s14, s13, $0xb8;
	[tilespmem:$0x12C00] =	vst v63  }
0x3f: {  	_ =	swait.ge [sflag:s24], $0x2000  }
0x40: {  	[sflag:s24] =	ssyncset.done $0x0  }
0x41: {  	[sflag:s24] =	ssyncadd.s32 $0xFFFFE000  }
0x42: {  	_ =	swait.ge [sflag:s25], $0x1200  }
0x43: {  	[sflag:s25] =	ssyncset.done $0x0  }
0x44: {  	s7 =	rddreg [dreg:$0x9];
	[sflag:s25] =	ssyncadd.s32 $0xFFFFEE00  }
0x45: {  	[hbm4b:s7+s18] =	stream.strided.scatter [tilespmem:s20], [sflag:$0xB], $0x3200, s19, s18, $0x38;
	[tilespmem:$0x12C00] =	vst v63  }
0x46: {  	p0 =	por $0x0, $0x0;
	_ =	swait.ge [sflag:s26], $0x3200  }
0x47: {  	s0 =	simm.s32 @!p0 $0x6400;
	[sflag:s26] =	ssyncset.done $0x0  }
0x48: {  	s1 =	simm.s32 @!p0 $0x320;
	s4 =	simm.s32 @!p0 $0x80;
	[sflag:s26] =	ssyncadd.s32 $0xFFFFCE00  }
0x49: {  	[tilespmem:s0], [sflag:$0x1] =	stream.indirect.gather @!p0 [hbm4b:s3+s4], $0x40, s1, s4, $0xb8;
	[tilespmem:$0x12C00] =	vst v63  }
0x4a: {  	s0 =	simm.s32 @!p0 $0x3A0;
	s1 =	simm.s32 @!p0 $0x48;
	s4 =	simm.s32 @!p0 $0x8400  }
0x4b: {  	[tilespmem:s4], [sflag:$0x5] =	stream.indirect.gather @!p0 [hbm4b:s3+s1], $0x40, s0, s1, $0xb8;
	[tilespmem:$0x12C00] =	vst v63  }
0x4c: {  	_ =	swait.ge [sflag:s28], $0x2000  }
0x4d: {  	s30 =	simm.s32 $0x1900;
	p1 =	por $0x0, $0x0;
	[sflag:s28] =	ssyncset.done $0x0  }
0x4e: {  	s5 =	sadd.s32 $0x40, s5;
	s14 =	sadd.s32 $0x40, s31;
	[sflag:s28] =	ssyncadd.s32 $0xFFFFE000  }
0x4f: {  	s10 =	sadd.s32 $0x40, s6;
	s4 =	simm.s32 $0xC80;
	_ =	swait.ge [sflag:s29], $0x1200  }
0x50: {  	s1 =	sadd.s32 $0x40, s7;
	s7 =	smov.u32 s31;
	[sflag:s29] =	ssyncset.done $0x0  }
.LBB2_2:
0x51: {  	s8 =	simm.s32 @!p1 $0xA;
	[sflag:s29] =	ssyncadd.s32 $0xFFFFEE00  }
0x52: {  	[hbm4b:s7+s18] =	stream.strided.scatter [tilespmem:s23], [sflag:$0xC], $0x3200, s19, s18, $0x38;
	[tilespmem:$0x12C00] =	vst v63  }
0x53: {  	_ =	swait.ge @!p1 [sflag:s8], $0x3200  }
0x54: {  	s6 =	sshra.s32 s4, $0x2;
	[sflag:s8] =	ssyncset.done @!p1 $0x0  }
0x55: {  	[sflag:s8] =	ssyncadd.s32 @!p1 $0xFFFFCE00;
	s8 =	sadd.s32 $0xC8, s6  }
0x56: {  	[tilespmem:s15], [sflag:$0x2] =	stream.indirect.gather [hbm4b:s3+s11], $0x40, s8, s11, $0xb8;
	[tilespmem:$0x12C00] =	vst v63  }
0x57: {  	s9 =	rddreg [dreg:$0x3];
	s8 =	sadd.s32 $0x148, s6  }
0x58: {  	[tilespmem:s9], [sflag:$0x6] =	stream.indirect.gather [hbm4b:s3+s13], $0x40, s8, s13, $0xb8;
	[tilespmem:$0x12C00] =	vst v63  }
0x59: {  	_ =	swait.ge [sflag:s16], $0x2000  }
0x5a: {  	[sflag:s16] =	ssyncset.done $0x0  }
0x5b: {  	[sflag:s16] =	ssyncadd.s32 $0xFFFFE000  }
0x5c: {  	_ =	swait.ge [sflag:s17], $0x1200  }
0x5d: {  	[sflag:s17] =	ssyncset.done $0x0  }
0x5e: {  	s8 =	simm.s32 @!p1 $0xB;
	[sflag:s17] =	ssyncadd.s32 $0xFFFFEE00  }
0x5f: {  	[hbm4b:s10+s18] =	stream.strided.scatter [tilespmem:s12], [sflag:$0x9], $0x3200, s19, s18, $0x38;
	[tilespmem:$0x12C00] =	vst v63  }
0x60: {  	_ =	swait.ge @!p1 [sflag:s8], $0x3200  }
0x61: {  	[sflag:s8] =	ssyncset.done @!p1 $0x0  }
0x62: {  	[sflag:s8] =	ssyncadd.s32 @!p1 $0xFFFFCE00;
	s8 =	sadd.s32 $0x190, s6  }
0x63: {  	[tilespmem:s20], [sflag:$0x3] =	stream.indirect.gather [hbm4b:s3+s11], $0x40, s8, s11, $0xb8;
	[tilespmem:$0x12C00] =	vst v63  }
0x64: {  	s9 =	rddreg [dreg:$0x4];
	s8 =	sadd.s32 $0x210, s6  }
0x65: {  	[tilespmem:s9], [sflag:$0x7] =	stream.indirect.gather [hbm4b:s3+s13], $0x40, s8, s13, $0xb8;
	[tilespmem:$0x12C00] =	vst v63  }
0x66: {  	_ =	swait.ge [sflag:s21], $0x2000  }
0x67: {  	[sflag:s21] =	ssyncset.done $0x0  }
0x68: {  	[sflag:s21] =	ssyncadd.s32 $0xFFFFE000  }
0x69: {  	_ =	swait.ge [sflag:s22], $0x1200  }
0x6a: {  	[sflag:s22] =	ssyncset.done $0x0  }
0x6b: {  	s8 =	simm.s32 @!p1 $0xC;
	[sflag:s22] =	ssyncadd.s32 $0xFFFFEE00  }
0x6c: {  	[hbm4b:s5+s18] =	stream.strided.scatter [tilespmem:s15], [sflag:$0xA], $0x3200, s19, s18, $0x38;
	[tilespmem:$0x12C00] =	vst v63  }
0x6d: {  	_ =	swait.ge @!p1 [sflag:s8], $0x3200  }
0x6e: {  	[sflag:s8] =	ssyncset.done @!p1 $0x0  }
0x6f: {  	[sflag:s8] =	ssyncadd.s32 @!p1 $0xFFFFCE00;
	s8 =	sadd.s32 $0x258, s6  }
0x70: {  	[tilespmem:s23], [sflag:$0x4] =	stream.indirect.gather [hbm4b:s3+s11], $0x40, s8, s11, $0xb8;
	[tilespmem:$0x12C00] =	vst v63  }
0x71: {  	s9 =	rddreg [dreg:$0x5];
	s6 =	sadd.s32 $0x2D8, s6  }
0x72: {  	[tilespmem:s9], [sflag:$0x8] =	stream.indirect.gather [hbm4b:s3+s13], $0x40, s6, s13, $0xb8;
	[tilespmem:$0x12C00] =	vst v63  }
0x73: {  	_ =	swait.ge [sflag:s24], $0x2000  }
0x74: {  	[sflag:s24] =	ssyncset.done $0x0  }
0x75: {  	[sflag:s24] =	ssyncadd.s32 $0xFFFFE000  }
0x76: {  	_ =	swait.ge [sflag:s25], $0x1200  }
0x77: {  	[sflag:s25] =	ssyncset.done $0x0  }
0x78: {  	s0 =	smov.u32 s30;
	p1 =	seq.s32 s4, $0x18380;
	[sflag:s25] =	ssyncadd.s32 $0xFFFFEE00  }
0x79: {  	[hbm4b:s1+s18] =	stream.strided.scatter [tilespmem:s20], [sflag:$0xB], $0x3200, s19, s18, $0x38;
	[tilespmem:$0x12C00] =	vst v63  }
0x7a: {  	s30 =	sadd.s32 $0xC80, s30;
	s4 =	sshra.s32 @!p1 s4, $0x2;
	_ =	swait.ge [sflag:s26], $0x3200  }
0x7b: {  	p0 =	sne.s32 s30, $0x19000;
	s8 =	sadd.s32 @!p1 $0x320, s4;
	[sflag:s26] =	ssyncset.done $0x0  }
0x7c: {  	s6 =	simm.s32 @!p1 $0x6400;
	s9 =	simm.s32 @!p1 $0x80;
	[sflag:s26] =	ssyncadd.s32 $0xFFFFCE00  }
0x7d: {  	[tilespmem:s6], [sflag:$0x1] =	stream.indirect.gather @!p1 [hbm4b:s3+s9], $0x40, s8, s9, $0xb8;
	[tilespmem:$0x12C00] =	vst v63  }
0x7e: {  	s4 =	sadd.s32 @!p1 $0x3A0, s4;
	s6 =	simm.s32 @!p1 $0x48;
	s8 =	simm.s32 @!p1 $0x8400  }
0x7f: {  	[tilespmem:s8], [sflag:$0x5] =	stream.indirect.gather @!p1 [hbm4b:s3+s6], $0x40, s4, s6, $0xb8;
	[tilespmem:$0x12C00] =	vst v63  }
.Ltmp0:
0x80: {  	_ =	swait.ge [sflag:s28], $0x2000;
	(pc) =	sbr.rel @p0 .LBB2_2-.Ltmp0, $4  }
0x81: {  	s7 =	smov.u32 s14;
	[sflag:s28] =	ssyncset.done $0x0  }
0x82: {  	s14 =	sadd.s32 $0x40, s14;
	s10 =	sadd.s32 $0x40, s10;
	[sflag:s28] =	ssyncadd.s32 $0xFFFFE000  }
0x83: {  	s5 =	sadd.s32 $0x40, s5;
	s4 =	smov.u32 s0;
	_ =	swait.ge [sflag:s29], $0x1200  }
0x84: {  	s1 =	sadd.s32 $0x40, s1;
	p1 =	seq.s32 s4, $0x0;
	[sflag:s29] =	ssyncset.done $0x0  }
0x85: {  	s0 =	simm.s32 @!p1 $0xA;
	[sflag:s29] =	ssyncadd.s32 $0xFFFFEE00  }
0x86: {  	[hbm4b:s7+s18] =	stream.strided.scatter [tilespmem:s23], [sflag:$0xC], $0x3200, s19, s18, $0x38;
	[tilespmem:$0x12C00] =	vst v63  }
0x87: {  	_ =	swait.ge @!p1 [sflag:s0], $0x3200  }
0x88: {  	s6 =	sshra.s32 s4, $0x2;
	[sflag:s0] =	ssyncset.done @!p1 $0x0  }
0x89: {  	s9 =	sadd.s32 $0xC8, s6;
	[sflag:s0] =	ssyncadd.s32 @!p1 $0xFFFFCE00  }
0x8a: {  	[tilespmem:s15], [sflag:$0x2] =	stream.indirect.gather [hbm4b:s3+s11], $0x40, s9, s11, $0xb8;
	[tilespmem:$0x12C00] =	vst v63  }
0x8b: {  	s8 =	sadd.s32 $0x148, s6;
	s30 =	rddreg [dreg:$0x3]  }
0x8c: {  	[tilespmem:s30], [sflag:$0x6] =	stream.indirect.gather [hbm4b:s3+s13], $0x40, s8, s13, $0xb8;
	[tilespmem:$0x12C00] =	vst v63  }
0x8d: {  	_ =	swait.ge [sflag:s16], $0x2000  }
0x8e: {  	[sflag:s16] =	ssyncset.done $0x0  }
0x8f: {  	[sflag:s16] =	ssyncadd.s32 $0xFFFFE000  }
0x90: {  	_ =	swait.ge [sflag:s17], $0x1200  }
0x91: {  	[sflag:s17] =	ssyncset.done $0x0  }
0x92: {  	s0 =	simm.s32 @!p1 $0xB;
	[sflag:s17] =	ssyncadd.s32 $0xFFFFEE00  }
0x93: {  	[hbm4b:s10+s18] =	stream.strided.scatter [tilespmem:s12], [sflag:$0x9], $0x3200, s19, s18, $0x38;
	[tilespmem:$0x12C00] =	vst v63  }
0x94: {  	_ =	swait.ge @!p1 [sflag:s0], $0x3200  }
0x95: {  	[sflag:s0] =	ssyncset.done @!p1 $0x0  }
0x96: {  	s9 =	sadd.s32 $0x190, s6;
	[sflag:s0] =	ssyncadd.s32 @!p1 $0xFFFFCE00  }
0x97: {  	[tilespmem:s20], [sflag:$0x3] =	stream.indirect.gather [hbm4b:s3+s11], $0x40, s9, s11, $0xb8;
	[tilespmem:$0x12C00] =	vst v63  }
0x98: {  	s30 =	sadd.s32 $0x210, s6;
	s10 =	rddreg [dreg:$0x4]  }
0x99: {  	[tilespmem:s10], [sflag:$0x7] =	stream.indirect.gather [hbm4b:s3+s13], $0x40, s30, s13, $0xb8;
	[tilespmem:$0x12C00] =	vst v63  }
0x9a: {  	_ =	swait.ge [sflag:s21], $0x2000  }
0x9b: {  	[sflag:s21] =	ssyncset.done $0x0  }
0x9c: {  	[sflag:s21] =	ssyncadd.s32 $0xFFFFE000  }
0x9d: {  	_ =	swait.ge [sflag:s22], $0x1200  }
0x9e: {  	[sflag:s22] =	ssyncset.done $0x0  }
0x9f: {  	s0 =	simm.s32 @!p1 $0xC;
	[sflag:s22] =	ssyncadd.s32 $0xFFFFEE00  }
0xa0: {  	[hbm4b:s5+s18] =	stream.strided.scatter [tilespmem:s15], [sflag:$0xA], $0x3200, s19, s18, $0x38;
	[tilespmem:$0x12C00] =	vst v63  }
0xa1: {  	_ =	swait.ge @!p1 [sflag:s0], $0x3200  }
0xa2: {  	[sflag:s0] =	ssyncset.done @!p1 $0x0  }
0xa3: {  	s5 =	sadd.s32 $0x258, s6;
	[sflag:s0] =	ssyncadd.s32 @!p1 $0xFFFFCE00  }
0xa4: {  	[tilespmem:s23], [sflag:$0x4] =	stream.indirect.gather [hbm4b:s3+s11], $0x40, s5, s11, $0xb8;
	[tilespmem:$0x12C00] =	vst v63  }
0xa5: {  	s8 =	sadd.s32 $0x2D8, s6;
	s7 =	rddreg [dreg:$0x5]  }
0xa6: {  	[tilespmem:s7], [sflag:$0x8] =	stream.indirect.gather [hbm4b:s3+s13], $0x40, s8, s13, $0xb8;
	[tilespmem:$0x12C00] =	vst v63  }
0xa7: {  	_ =	swait.ge [sflag:s24], $0x2000  }
0xa8: {  	[sflag:s24] =	ssyncset.done $0x0  }
0xa9: {  	[sflag:s24] =	ssyncadd.s32 $0xFFFFE000  }
0xaa: {  	_ =	swait.ge [sflag:s25], $0x1200  }
0xab: {  	[sflag:s25] =	ssyncset.done $0x0  }
0xac: {  	p0 =	seq.s32 s4, $0x18380;
	[sflag:s25] =	ssyncadd.s32 $0xFFFFEE00  }
0xad: {  	[hbm4b:s1+s18] =	stream.strided.scatter [tilespmem:s20], [sflag:$0xB], $0x3200, s19, s18, $0x38;
	[tilespmem:$0x12C00] =	vst v63  }
0xae: {  	s0 =	sshra.s32 @!p0 s4, $0x2;
	_ =	swait.ge [sflag:s26], $0x3200  }
0xaf: {  	s4 =	sadd.s32 @!p0 $0x320, s0;
	[sflag:s26] =	ssyncset.done $0x0  }
0xb0: {  	s5 =	simm.s32 @!p0 $0x80;
	s1 =	simm.s32 @!p0 $0x6400;
	[sflag:s26] =	ssyncadd.s32 $0xFFFFCE00  }
0xb1: {  	[tilespmem:s1], [sflag:$0x1] =	stream.indirect.gather @!p0 [hbm4b:s3+s5], $0x40, s4, s5, $0xb8;
	[tilespmem:$0x12C00] =	vst v63  }
0xb2: {  	s0 =	sadd.s32 @!p0 $0x3A0, s0;
	s1 =	simm.s32 @!p0 $0x48;
	s4 =	simm.s32 @!p0 $0x8400  }
0xb3: {  	[tilespmem:s4], [sflag:$0x5] =	stream.indirect.gather @!p0 [hbm4b:s3+s1], $0x40, s0, s1, $0xb8;
	[tilespmem:$0x12C00] =	vst v63  }
0xb4: {  	_ =	swait.ge [sflag:s28], $0x2000  }
0xb5: {  	[sflag:s28] =	ssyncset.done $0x0  }
0xb6: {  	[sflag:s28] =	ssyncadd.s32 $0xFFFFE000  }
0xb7: {  	_ =	swait.ge [sflag:s29], $0x1200  }
0xb8: {  	[sflag:s29] =	ssyncset.done $0x0  }
0xb9: {  	s9 =	simm.s32 $0xA;
	[sflag:s29] =	ssyncadd.s32 $0xFFFFEE00  }
0xba: {  	[hbm4b:s14+s18] =	stream.strided.scatter [tilespmem:s23], [sflag:$0xC], $0x3200, s19, s18, $0x38;
	[tilespmem:$0x12C00] =	vst v63  }
0xbb: {  	_ =	swait.ge [sflag:s9], $0x3200  }
0xbc: {  	[sflag:s9] =	ssyncset.done $0x0  }
0xbd: {  	s10 =	simm.s32 $0xB;
	[sflag:s9] =	ssyncadd.s32 $0xFFFFCE00  }
0xbe: {  	_ =	swait.ge [sflag:s10], $0x3200  }
0xbf: {  	[sflag:s10] =	ssyncset.done $0x0  }
0xc0: {  	s14 =	simm.s32 $0xC;
	[sflag:s10] =	ssyncadd.s32 $0xFFFFCE00  }
0xc1: {  	_ =	swait.ge [sflag:s14], $0x3200  }
0xc2: {  	s2 =	sadd.s32 $0x1, s2;
	s30 =	rddreg [dreg:$0x7]  }
0xc3: {  	p0 =	sne.s32 s2, s30  }
.Ltmp1:
0xc4: {  	_ = 	snop;
	(pc) =	sbr.rel @p0 .LBB2_1-.Ltmp1, $3  }
0xc5: {  	_ =	sdelay $0x1  }
0xc6: {  	[sflag:s14] =	ssyncset.done $0x0  }
0xc7: {  	[sflag:s14] =	ssyncadd.s32 $0xFFFFCE00  }
0xc8: {  	_ =	sfence.sel $0x180000  }
0xc9: {  	[bflag:$0x0] =	sbarrier.arrive $0xFFFF  }
0xca: {  	_ =	strace $0x9000004A  }
0xcb: {  	s0 =	stileid.u32;
	[bflag:$0x2] =	sbarrier.arrive $0xFFFF  }
0xcc: {  	p0 =	sne.s32 s0, $0x0;
	s0 =	rddreg [dreg:$0x2]  }
0xcd: {  	s0 =	sadd.s32 @!p0 $0x100000, s0  }
0xce: {  	[sflag:s0] =	ssyncadd.tile.s32 @!p0 $0x1;
	_ =	shalt  }
.Lfunc_end2:
_tile_overlayer_lowered:
.L_overlay_start_2:
0xcf: {  	(tag) =	ssettag $0x2  }
0xd0: {  	s0 =	rddreg [dreg:$0x0];
	s2 =	stileid.u32  }
0xd1: {  	s1 =	rddreg [dreg:$0x1];
	p0 =	sne.s32 s2, $0x0  }
0xd2: {  	s3 =	rddreg [dreg:$0x2];
	[bflag:$0x3] =	sbarrier.arrive $0xFFFF;
	s2 =	simm.s32 @!p0 $0x1C0D  }
0xd3: {  	[timem:s3], [sflag:s2] =	dma.local @!p0 [hbm:s0], s1  }
0xd4: {  	s0 =	simm.s32 @!p0 $0xD  }
0xd5: {  	_ =	swait.ge @!p0 [sflag:s0], s1  }
0xd6: {  	s1 =	ssub.s32 @!p0 $0x0, s1;
	[sflag:s0] =	ssyncset.done @!p0 $0x0  }
0xd7: {  	[sflag:s0] =	ssyncadd.s32 @!p0 s1  }
0xd8: {  	[bflag:$0x3] =	sbarrier.arrive $0xFFFF  }
0xd9: {  	_ =	shalt  }

// kernel: sparse-core-data-format-call.cloned.1.call-start
scs
called_computation_lowered:
.L_overlay_start_0:
0x0: {  	s2 =	sld [smem:$0x3FD9]  }
0x1: {  	s3 =	sld [smem:$0x3FFE];
	_ =	sdelay $0x1  }
0x2: {  	s1 =	srdreg.scid  }
0x3: {  	s0 =	sand.u32 $0x1, s1  }
0x4: {  	s18 =	sshll.u32 s0, $0xA;
	s2 =	sadd.s32 s3, s2  }
0x5: {  	s2 =	sadd.s32 s2, s18  }
0x6: {  	[smem:$0x3FC5] =	sst s2  }
0x7: {  	_ = 	snop  }
0x8: {  	s2 =	sld [smem:$0x3FC8];
	(tm) =	ssettm $0x1  }
0x9: {  	s19 =	sld [smem:$0x3FFB];
	_ =	sdelay $0x3  }
0xa: {  	_ =	strace s19  }
0xb: {  	s3 =	sld [smem:$0x3FFC];
	_ =	sdelay $0x3  }
0xc: {  	_ =	strace s3  }
0xd: {  	s3 =	sld [smem:$0x3FFD];
	_ =	sdelay $0x3  }
0xe: {  	_ =	strace s3  }
0xf: {  	_ =	strace $0x8FFFFFFF  }
0x10: {  	s20 =	sld [smem:$0x3FDB];
	_ =	sdelay $0x1  }
0x11: {  	s4 =	simm.s32 $_scs_section_size  }
0x12: {  	s5 =	simm.s32 $_size__tile_overlayer_lowered;
	s6 =	simm.s32 $_tile_overlayer_lowered  }
0x13: {  	s23 =	simm.s32 $0x1BFF;
	s22 =	sshll.u32 s6, $0x1;
	s3 =	sadd.s32 s4, s20  }
0x14: {  	s7 =	simm.s32 $0x0;
	s21 =	sshll.u32 s5, $0x1;
	s5 =	sadd.s32 s22, s3  }
0x15: {  	[timem:s7], [sflag:s23] =	dma.local [hbm:s5], s21  }
0x16: {  	_ =	swait.ge [sflag:s23], s21  }
0x17: {  	s4 =	ssub.s32 $0x0, s21;
	[sflag:s23] =	ssyncset.done $0x0  }
0x18: {  	[sflag:s23] =	ssyncadd.s32 s4;
	_ =	sdelay $0x1  }
0x19: {  	s24 =	simm.s32 $0x1B8B  }
0x1a: {  	_ =	swait.ge [sflag:s24], $0x1  }
0x1b: {  	[sflag:s24] =	ssyncset.done $0x0  }
0x1c: {  	s26 =	simm.s32 $0x1B8E;
	s25 =	sld [smem:$0x3FFE];
	[sflag:s24] =	ssyncadd.s32 $0xFFFFFFFF  }
0x1d: {  	s27 =	simm.s32 $execute0_lowered;
	[smem:$0x3FD2] =	sst s26  }
0x1e: {  	s5 =	sshll.u32 s27, $0x1;
	_ =	strace $0x80000046;
	[dreg:$0x1] =	wrdreg $0xFFFFFFFF  }
0x1f: {  	s28 =	simm.s32 $_size_execute0_lowered;
	s3 =	sadd.s32 s3, s5;
	[dreg:$0x0] =	wrdreg $0x0  }
0x20: {  	s5 =	sshll.u32 s28, $0x1;
	[dreg:$0x2] =	wrdreg s3  }
0x21: {  	[dreg:$0x3] =	wrdreg s5  }
0x22: {  	[dreg:$0x4] =	wrdreg $0xC0  }
0x23: {  	_ =	task [dreg:s7], $0x5FFFF  }
0x24: {  	[dreg:$0x1] =	wrdreg $0xFFFFFFFF  }
0x25: {  	[dreg:$0x0] =	wrdreg $0x60  }
0x26: {  	[dreg:$0x2] =	wrdreg s2  }
0x27: {  	[dreg:$0x3] =	wrdreg s25  }
0x28: {  	[dreg:$0x4] =	wrdreg $0x9  }
0x29: {  	_ =	task.clear_ibuf [dreg:s7], $0x5FFFF;
	_ =	strace $0x90000046  }
0x2a: {  	s29 =	simm.s32 $0x9;
	_ =	strace $0x80000048  }
0x2b: {  	_ =	swait.ge [sflag:s29], $0x1  }
0x2c: {  	[sflag:s29] =	ssyncadd.s32 $0xFFFFFFFF  }
0x2d: {  	_ =	strace $0x90000048  }
0x2e: {  	_ =	sfence  }
0x2f: {  	s30 =	sld [smem:$0x0];
	_ =	sdelay $0x2  }
0x30: {  	s31 =	sshll.u32 s1, $0xD;
	s1 =	sshrl.u32 s1, $0x2  }
0x31: {  	s3 =	sand.u32 $0x4000, s31;
	s1 =	sadd.s32 s1, s30  }
0x32: {  	s0 =	sor.u32 s3, s0;
	s1 =	sshll.u32 s1, $0x11  }
0x33: {  	s0 =	sor.u32 s1, s0  }
0x34: {  	s0 =	sadd.s32 $0x8F2B, s0  }
0x35: {  	[sflag:s0] =	ssyncadd.remote.s32 $0x1  }
0x36: {  	_ =	sfence.sel $0xFFFF  }
0x37: {  	[dreg:$0x0] =	wrdreg $0xFFFFFFFF;
	(pc) =	sbr.abs _section_cstart, $3  }
0x38: {  	[dreg:$0x1] =	wrdreg $0xFFFFFFFF  }
0x39: {  	_ =	task.clear_ibuf [dreg:s7], $0x2FFFF;
	_ =	strace $0x9FFFFFFF  }
0x3a: {  	(tm) =	ssettm $0x7FFFFFFF  }
0x3b: {  	_ =	shalt  }
tec
execute0_lowered:
.L_overlay_start_1:
0x0: {  	(tag) =	ssettag $0x1  }
0x1: {  	s0 =	srdreg.scid;
	s2 =	rddreg [dreg:$0x0]  }
0x2: {  	s5 =	rddreg [dreg:$0x1];
	s1 =	stileid.u32  }
0x3: {  	s4 =	simm.s32 $0x1;
	s6 =	simm.s32 $0x2;
	s15 =	simm.s32 $0x0  }
0x4: {  	p0 =	por $0x0, $0x0;
	s8 =	simm.s32 $0x80;
	s0 =	sshll.u32 s0, $0x4  }
0x5: {  	s14 =	simm.s32 $0x0;
	s9 =	simm.s32 $0x0;
	s3 =	sand.u32 $0x10, s0  }
.Ltmp0:
0x6: {  	s10 =	simm.s32 $0x0;
	s3 =	sor.u32 s1, s3;
	(pc) =	sbr.rel .LBB1_1-.Ltmp0, $4  }
0x7: {  	s0 =	rddreg [dreg:$0x2];
	_ =	strace $0x80000047;
	s3 =	sshll.u32 s3, $0x7  }
0x8: {  	s12 =	simm.s32 $0x0;
	[sflag:s4] =	ssyncpa.u1 $0x0;
	s7 =	ssub.s32 $0xF4200, s3  }
0x9: {  	s13 =	simm.s32 $0x0;
	[sflag:s6] =	ssyncpa.u1 $0x0;
	s6 =	sshrl.u32 s7, $0xC  }
0xa: {  	s5 =	sadd.s32 $0xE00, s5;
	s11 =	smov.u32 s3;
	s7 =	sadd.s32 $0x2, s6  }
.LBB1_5:
0xb: {  	p1 =	slt.u32 s13, $0x2  }
0xc: {  	s17 =	smov.u32 s15;
	p2 =	sgt.s32 @!p1 s15, $0xF41C0;
	s16 =	sshra.s32 @!p1 s15, $0x1F  }
0xd: {  	p3 =	sgt.s32 @!p1 s14, $0x40;
	s18 =	sshra.s32 @!p1 s14, $0x1F;
	p2 =	por !p2, p1  }
0xe: {  	s15 =	sand.u32 @!p1 s16, s15;
	p3 =	por !p3, p1;
	s16 =	smov.u32 s14  }
0xf: {  	s14 =	sand.u32 @!p1 s18, s14;
	s17 =	simm.s32 @p2 $0xF41C0;
	s16 =	simm.s32 @p3 $0x40  }
0x10: {  	s15 =	ssub.s32 @!p1 s17, s15;
	s14 =	ssub.s32 @!p1 s16, s14  }
0x11: {  	s18 =	smov.u32 s12;
	s16 =	sadd.s32 @!p1 $0xFFF0BE40, s15;
	s17 =	sadd.s32 @!p1 $0xFFFFFFC0, s14  }
0x12: {  	s15 =	ssub.s32 @!p1 $0xF4240, s15;
	p2 =	sgt.s32 @!p1 s16, $0x7F;
	p3 =	sgt.s32 @!p1 s17, $0x3F  }
0x13: {  	s14 =	ssub.s32 @!p1 $0x80, s14;
	p2 =	por !p2, p1;
	p3 =	por !p3, p1  }
0x14: {  	s16 =	sadd.s32 $0x1000, s11;
	s15 =	simm.s32 @!p2 $0x0;
	s14 =	simm.s32 @!p3 $0x0  }
0x15: {  	p2 =	sgt.s32 s16, $0xF423F;
	s14 =	smul.u32 @!p1 s14, s15;
	s15 =	sadd.s32 $0x40, s12  }
0x16: {  	s18 =	smov.u32 @p2 s15  }
0x17: {  	s16 =	smov.u32 @p2 s3;
	p2 =	sgt.s32 s18, $0x3F  }
0x18: {  	s18 =	simm.s32 @p2 $0x0;
	p2 =	sne.s32 s13, s7  }
.Ltmp1:
0x19: {  	p0 =	por !p0, !p0;
	s17 =	simm.s32 @!p1 $0x2;
	(pc) =	sbr.rel @!p2 .LBB1_6-.Ltmp1, $4  }
0x1a: {  	s15 =	smov.u32 s9;
	s9 =	smov.u32 s11;
	s14 =	sand.u32 @!p1 $0x3FFFFFFF, s14  }
0x1b: {  	s11 =	smov.u32 s16;
	_ =	swait.ge @!p1 [sflag:s17], s14;
	s19 =	ssub.s32 @!p1 $0x0, s14  }
0x1c: {  	s14 =	smov.u32 s10;
	s13 =	sadd.s32 $0x1, s13;
	[sflag:s17] =	ssyncset.done @!p1 $0x0  }
0x1d: {  	s10 =	smov.u32 s12;
	s12 =	smov.u32 s18;
	[sflag:s17] =	ssyncadd.s32 @!p1 s19  }
.LBB1_1:
0x1e: {  	p1 =	sgt.u32 s13, s6  }
0x1f: {  	s16 =	sshrl.u32 @!p1 s12, $0x3  }
0x20: {  	s17 =	sshll.u32 @!p1 s11, $0x3;
	s16 =	smul.u32 @!p1 $0x7A1400, s16  }
0x21: {  	s18 =	sshll.u32 @!p1 s12, $0x7;
	s17 =	sand.u32 @!p1 $0xFFFFFC00, s17  }
0x22: {  	s16 =	sadd.s32 @!p1 s16, s17;
	s17 =	sand.u32 @!p1 $0x380, s18  }
0x23: {  	s18 =	sand.u32 @!p1 $0x7F, s11;
	s16 =	sor.u32 @!p1 s17, s16  }
0x24: {  	s17 =	sor.u32 @!p1 s18, s16  }
0x25: {  	s18 =	smulhi.u32 @!p1 $0x218D6287, s17;
	_ =	sdelay $0x1  }
0x26: {  	s16 =	smulhi.u32 @!p1 $0x218D6287, s16;
	s18 =	sshrl.u32 @!p1 s18, $0x11  }
0x27: {  	s18 =	smul.u32 @!p1 $0xF4280, s18  }
0x28: {  	s19 =	sxor.u32 @!p1 $0xFFFFFFFF, s13;
	s16 =	sshrl.u32 @!p1 s16, $0x11  }
0x29: {  	s19 =	sshll.u32 @!p1 s19, $0xD;
	s16 =	sand.u32 @!p1 $0x3F, s16;
	s17 =	ssub.s32 @!p1 s17, s18  }
0x2a: {  	s16 =	smul.u32 @!p1 $0x1E850, s16;
	s18 =	sshrl.u32 @!p1 s17, $0x3;
	s17 =	sand.u32 @!p1 $0x7, s17  }
0x2b: {  	s19 =	sand.u32 @!p1 $0x2000, s19;
	s18 =	sadd.s32 @!p1 s2, s18;
	s17 =	sshll.u32 @!p1 s17, $0x12  }
0x2c: {  	s16 =	sadd.s32 @!p1 s16, s18;
	s17 =	sor.u32 @!p1 $0x400, s17;
	s18 =	simm.s32 @!p1 $0x7A1400  }
0x2d: {  	[tilespmem:s19], [sflag:$0x1] =	stream.strided.gather @!p1 [hbm4b:s16+s17], $0x2000, s18, s17, $0x38;
	[tilespmem:$0x8100] =	vst v63  }
0x2e: {  	p1 =	seq.s32 s13, $0x0  }
0x2f: {  	p2 =	sge.u32 @!p1 s13, s7  }
0x30: {  	p1 =	por p1, p2  }
.Ltmp2:
0x31: {  	_ = 	snop;
	(pc) =	sbr.rel @p1 .LBB1_5-.Ltmp2, $1  }
0x32: {  	_ =	sdelay $0x3  }
0x33: {  	s16 =	simm.s32 $0x1  }
0x34: {  	_ =	swait.ge [sflag:s4], $0x2000;
	s16 =	simm.s32 @!p0 $0x0  }
0x35: {  	[sflag:s4] =	ssyncset.done $0x0;
	s17 =	sshll.u32 s16, $0xD  }
0x36: {  	[sflag:s4] =	ssyncadd.s32 $0xFFFFE000;
	s17 =	sor.u32 $0x40, s17  }
0x37: {  	s16 =	smul.u32 $0x8200, s16;
	v0 =	vld [tilespmem:s17+$0x30]  }
0x38: {  	v1 =	vld [tilespmem:s17+$0xFFFFFFD0]  }
0x39: {  	s16 =	sshrl.u32 s16, $0x2;
	v5 =	vld [tilespmem:s17+$0xFFFFFFE0]  }
0x3a: {  	v6 =	vld [tilespmem:s17+$0xFFFFFFF0];
	s19 =	sor.u32 $0x4000, s16  }
0x3b: {  	s31 =	sand.u32 $0x1, s13;
	v4 =	vld [tilespmem:s17+$0x0];
	s18 =	sadd.s32 $0x0, s19  }
0x3c: {  	v3 =	vld [tilespmem:s17+$0x10];
	s16 =	smul.u32 $0x8200, s31;
	[tilespmem:s18+$0x1C70 ss:$0x41] =	vst.msk $0xffff, v0  }
0x3d: {  	v2 =	vld [tilespmem:s17+$0x20];
	[tilespmem:s18+$0x410 ss:$0x41] =	vst.msk $0xffff, v1  }
0x3e: {  	s16 =	sshrl.u32 s16, $0x2;
	v1 =	vld [tilespmem:s17+$0xFFFFFFC0];
	[tilespmem:s18+$0x820 ss:$0x41] =	vst.msk $0xffff, v5;
	s17 =	sadd.s32 $0x80, s17  }
0x3f: {  	s20 =	simm.s32 $0x4;
	s21 =	simm.s32 $0x8;
	s16 =	sor.u32 $0x4000, s16;
	[tilespmem:s18+$0xC30 ss:$0x41] =	vst.msk $0xffff, v6;
	v0 =	vld [tilespmem:s17+$0x30]  }
.LBB1_3:
0x40: {  	p1 =	sne.s32 s21, $0xFC;
	v5 =	vld [tilespmem:s17+$0xFFFFFFD0];
	[tilespmem:s18+$0x1040 ss:$0x41] =	vst.msk $0xffff, v4  }
0x41: {  	v6 =	vld [tilespmem:s17+$0xFFFFFFE0];
	[tilespmem:s18+$0x1450 ss:$0x41] =	vst.msk $0xffff, v3  }
0x42: {  	s22 =	sshra.s32 s20, $0x2;
	s20 =	smov.u32 s21;
	v7 =	vld [tilespmem:s17+$0xFFFFFFF0];
	[tilespmem:s18+$0x1860 ss:$0x41] =	vst.msk $0xffff, v2  }
.Ltmp3:
0x43: {  	v4 =	vld [tilespmem:s17+$0x0];
	[tilespmem:s18+$0x0 ss:$0x41] =	vst.msk $0xffff, v1;
	s18 =	sadd.s32 s22, s19;
	(pc) =	sbr.rel @p1 .LBB1_3-.Ltmp3, $4  }
0x44: {  	v3 =	vld [tilespmem:s17+$0x10];
	[tilespmem:s18+$0x1C70 ss:$0x41] =	vst.msk $0xffff, v0  }
0x45: {  	[tilespmem:s18+$0x410 ss:$0x41] =	vst.msk $0xffff, v5;
	v2 =	vld [tilespmem:s17+$0x20]  }
0x46: {  	v1 =	vld [tilespmem:s17+$0xFFFFFFC0];
	[tilespmem:s18+$0x820 ss:$0x41] =	vst.msk $0xffff, v6;
	s17 =	sadd.s32 $0x80, s17  }
0x47: {  	s21 =	sadd.s32 $0x4, s21;
	v0 =	vld [tilespmem:s17+$0x30];
	[tilespmem:s18+$0xC30 ss:$0x41] =	vst.msk $0xffff, v7  }
0x48: {  	s21 =	sshll.u32 s9, $0x7;
	s22 =	sshll.u32 s10, $0x3;
	s20 =	sshra.s32 s20, $0x2  }
0x49: {  	p1 =	sgt.s32 s9, $0xF41C0;
	s30 =	sshra.s32 s9, $0x1F;
	s25 =	sshra.s32 s10, $0x1F  }
0x4a: {  	v5 =	vld [tilespmem:s17+$0xFFFFFFD0];
	s28 =	sshrl.u32 s10, $0x3;
	s23 =	sand.u32 $0xFFFFFC00, s21;
	s22 =	sand.u32 $0xFFFFFC00, s22  }
0x4b: {  	[tilespmem:s18+$0x1040 ss:$0x41] =	vst.msk $0xffff, v4;
	v58 =	vld [tilespmem:s17+$0xFFFFFFE0];
	s21 =	sand.u32 $0x380, s21;
	s19 =	sadd.s32 s20, s19;
	s22 =	sadd.s32 s22, s23  }
0x4c: {  	v59 =	vld [tilespmem:s17+$0xFFFFFFF0];
	[tilespmem:s18+$0x1450 ss:$0x41] =	vst.msk $0xffff, v3;
	s29 =	sor.u32 s21, s22;
	s21 =	smov.u32 s9;
	s22 =	sand.u32 s30, s9  }
0x4d: {  	v60 =	vld [tilespmem:s17+$0x0];
	[tilespmem:s18+$0x1860 ss:$0x41] =	vst.msk $0xffff, v2;
	s30 =	sand.u32 $0x7, s10;
	s20 =	sshrl.u32 s29, $0x7;
	s21 =	simm.s32 @!p1 $0xF41C0  }
0x4e: {  	v61 =	vld [tilespmem:s17+$0x10];
	[tilespmem:s18+$0x0 ss:$0x41] =	vst.msk $0xffff, v1;
	p1 =	sgt.s32 s10, $0x40;
	s24 =	ssub.s32 s21, s22;
	s21 =	smov.u32 s10  }
0x4f: {  	v62 =	vld [tilespmem:s17+$0x20];
	[tilespmem:s19+$0x1C70 ss:$0x41] =	vst.msk $0xffff, v0;
	s31 =	smulhi.u32 $0x218DEF5, s20;
	s22 =	sand.u32 s25, s10;
	s21 =	simm.s32 @!p1 $0x40  }
0x50: {  	v63 =	vld [tilespmem:s17+$0xFFFFFFC0];
	[tilespmem:s19+$0x410 ss:$0x41] =	vst.msk $0xffff, v5;
	s26 =	sadd.s32 $0xFFF0BE40, s24;
	s17 =	ssub.s32 $0xF4240, s24;
	s21 =	ssub.s32 s21, s22  }
0x51: {  	[tilespmem:s19+$0x820 ss:$0x41] =	vst.msk $0xffff, v58;
	s23 =	sshrl.u32 s31, $0xD;
	p1 =	sgt.s32 s26, $0x7F;
	s27 =	sadd.s32 $0xFFFFFFC0, s21  }
0x52: {  	[tilespmem:s19+$0xC30 ss:$0x41] =	vst.msk $0xffff, v59;
	s23 =	smul.u32 $0xF4240, s23;
	s18 =	ssub.s32 $0x80, s21;
	p2 =	sgt.s32 s27, $0x3F  }
.Ltmp4:
0x53: {  	[tilespmem:s19+$0x1040 ss:$0x41] =	vst.msk $0xffff, v60;
	s17 =	simm.s32 @p1 $0x0;
	s18 =	simm.s32 @p2 $0x0;
	(pc) =	sbr.rel .LBB1_5-.Ltmp4, $4  }
0x54: {  	s29 =	sand.u32 $0xF, s28;
	[tilespmem:s19+$0x1450 ss:$0x41] =	vst.msk $0xffff, v61;
	s20 =	ssub.s32 s20, s23;
	s17 =	smul.u32 s18, s17  }
0x55: {  	[tilespmem:s19+$0x1860 ss:$0x41] =	vst.msk $0xffff, v62;
	s21 =	sshll.u32 s30, $0x12;
	s20 =	sshll.u32 s20, $0x4;
	s18 =	sadd.s32 s5, s29  }
0x56: {  	[tilespmem:s19+$0x0 ss:$0x41] =	vst.msk $0xffff, v63;
	s31 =	sor.u32 $0x40, s21;
	s18 =	sadd.s32 s20, s18;
	s17 =	sand.u32 $0x3FFFFFFF, s17  }
0x57: {  	[hbm4b:s18+s31] =	stream.strided.scatter [tilespmem:s16], [sflag:$0x2], s17, s8, s31, $0x18;
	[tilespmem:$0x8100] =	vst v63  }
.LBB1_6:
0x58: {  	_ =	sfence.sel $0x180000  }
0x59: {  	s2 =	simm.s32 $0x1;
	[bflag:$0x0] =	sbarrier.arrive $0xFFFF  }
0x5a: {  	s31 =	simm.s32 $0x2;
	[sflag:s2] =	ssyncpa.u1 $0x1  }
0x5b: {  	[sflag:s31] =	ssyncpa.u1 $0x1  }
0x5c: {  	p0 =	sne.s32 s1, $0x0;
	_ =	strace $0x90000047  }
0x5d: {  	s0 =	sadd.s32 @!p0 $0x100000, s0;
	[bflag:$0x2] =	sbarrier.arrive $0xFFFF  }
0x5e: {  	[sflag:s0] =	ssyncadd.tile.s32 @!p0 $0x1;
	_ =	shalt  }
.Lfunc_end1:
_tile_overlayer_lowered:
.L_overlay_start_2:
0x5f: {  	(tag) =	ssettag $0x2  }
0x60: {  	s0 =	rddreg [dreg:$0x0];
	s2 =	stileid.u32  }
0x61: {  	s1 =	rddreg [dreg:$0x1];
	p0 =	sne.s32 s2, $0x0  }
0x62: {  	s3 =	rddreg [dreg:$0x2];
	[bflag:$0x3] =	sbarrier.arrive $0xFFFF;
	s2 =	simm.s32 @!p0 $0x1C01  }
0x63: {  	[timem:s3], [sflag:s2] =	dma.local @!p0 [hbm:s0], s1  }
0x64: {  	s0 =	simm.s32 @!p0 $0x1  }
0x65: {  	_ =	swait.ge @!p0 [sflag:s0], s1  }
0x66: {  	s1 =	ssub.s32 @!p0 $0x0, s1;
	[sflag:s0] =	ssyncset.done @!p0 $0x0  }
0x67: {  	[sflag:s0] =	ssyncadd.s32 @!p0 s1  }
0x68: {  	[bflag:$0x3] =	sbarrier.arrive $0xFFFF  }
0x69: {  	_ =	shalt  }

</sc_bundles>
